<compile_context>
chip_gen: v7x
topology: tpu7x:2x2x1
jax: 0.10.2.dev20260603
libtpu: 0.0.44.dev20260713+nightly
codegen_flags: <defaults>
</compile_context>

<pallas_src>
import jax
import jax.numpy as jnp
from jax import lax
from jax.experimental import pallas as pl
from jax.experimental.pallas import tpu as pltpu
from jax.experimental.pallas import tpu_sc as plsc

_B, _S, _D = 4, 2048, 4096
_L = 16
_CHUNKS = _S // _L

_smesh = plsc.ScalarSubcoreMesh(axis_name="c", num_cores=1)
_vmesh = plsc.VectorSubcoreMesh(core_axis_name="c", subcore_axis_name="s",
                                num_cores=1, num_subcores=_B)
_vv = pltpu.VMEM @ _vmesh


def _scs_stage(ids_hbm, lhs_hbm, out_hbm, ids_sh, ids_v, row_v, out_v, sem):
    del lhs_hbm, out_hbm, ids_v, row_v, out_v
    pltpu.sync_copy(ids_hbm, ids_sh)
    for t in range(_B):
        pltpu.semaphore_signal(sem, 1, device_id={"s": t})


def _tec_argmax_pick(ids_hbm, lhs_hbm, out_hbm, ids_sh, ids_v, row_v, out_v,
                     sem):
    del ids_hbm
    wid = lax.axis_index("s") + lax.axis_index("c")

    @pl.when(wid < _B)
    def _():
        b = wid
        pltpu.semaphore_wait(sem, 1)
        pltpu.sync_copy(ids_sh.at[b], ids_v)
        lanes = lax.iota(jnp.int32, _L)

        _ACC = 8
        accs = [jnp.full((_L,), jnp.iinfo(jnp.int32).min, jnp.int32)
                for _ in range(_ACC)]
        wc = (_S - 1) - lanes
        for c in range(_CHUNKS):
            v = ids_v[pl.ds(c * _L, _L)]
            accs[c % _ACC] = jnp.maximum(accs[c % _ACC], v * _S + wc)
            wc = wc - _L
        while len(accs) > 1:
            accs = [jnp.maximum(accs[i], accs[i + len(accs) // 2])
                    for i in range(len(accs) // 2)]
        best = accs[0]

        for sh in (8, 4, 2, 1):
            perm = (lanes + sh) & (_L - 1)
            best = jnp.maximum(
                best, best.at[perm].get(mode="promise_in_bounds"))

        bestk = best[0]
        idx = (_S - 1) - lax.rem(bestk, _S)

        base = (idx // _L) * _L
        pltpu.sync_copy(lhs_hbm.at[b, idx, pl.ds(base, _L)], row_v)
        sel = row_v[...].at[jnp.broadcast_to(idx - base, (_L,))].get(
            mode="promise_in_bounds")
        out_v[...] = sel * sel
        pltpu.sync_copy(out_v, out_hbm.at[b])


_sc_call = pl.kernel(
    body=[_scs_stage, _tec_argmax_pick],
    mesh=[_smesh, _vmesh],
    out_type=jax.ShapeDtypeStruct((_B, _L), jnp.float32),
    scratch_types=[
        pltpu.VMEM_SHARED((_B, _S), jnp.int32),
        _vv((_S,), jnp.int32),
        _vv((_L,), jnp.float32),
        _vv((_L,), jnp.float32),
        pltpu.SemaphoreType.REGULAR @ _vmesh,
    ],
)


def kernel(last_hidden_state, input_ids):
    ids = input_ids.astype(jnp.int32)
    out = _sc_call(ids, last_hidden_state)
    return out[:, 0]

# --- scband reference (transcript-rebuilt; emitter-appended) ---
"""Pipeline reference for scband-clip-argmax-sandwich-14018773254349 (READ-ONLY COPY).

The authoritative reference and input builder live on the scoring server;
editing this copy changes nothing except your own understanding.
"""

import jax, jax.numpy as jnp
import numpy as np


def setup_inputs(seed: int = 0) -> dict:
    key = jax.random.key(seed)
    k1, k2 = jax.random.split(key)
    last_hidden_state = jax.random.normal(k1, (4, 2048, 4096), dtype=jnp.float32)
    input_ids = jax.random.randint(k2, (4, 2048), 0, 49408, dtype=jnp.int64)
    return {"last_hidden_state": last_hidden_state, "input_ids": input_ids}


def reference(last_hidden_state, input_ids):
    # First gather: select hidden state at position of max token id per batch row
    idx = jnp.argmax(input_ids, axis=-1)  # [B]
    b = jnp.arange(last_hidden_state.shape[0])
    pooled_output = last_hidden_state[b, idx]  # [B, D]
    # Elementwise square
    pooled_output = pooled_output * pooled_output
    # Second gather: index the [B, D] pooled output with the same argmax indices
    # (valid because seq_len 2048 <= d_model 4096, so idx < D)
    pooled_output = pooled_output[jnp.arange(pooled_output.shape[0]), idx]  # [B]
    return pooled_output

if __name__ == "__main__":
    import jax
    _d = setup_inputs()
    print(jax.jit(kernel)(*tuple(_d.values())))

</pallas_src>

<mosaic_0001>
#map = affine_map<(d0) -> (0, 0)>
#map1 = affine_map<(d0) -> (0, 0, 0)>
#map2 = affine_map<(d0, d1) -> (0, 0)>
#map3 = affine_map<(d0, d1) -> (0, 0, 0)>
module attributes {stable_mosaic.version = 14 : i64} {
  func.func @_scs_stage(%arg0: i32, %arg1: memref<4x2048xi32, #tpu.memory_space<hbm>>, %arg2: memref<4x2048x4096xf32, #tpu.memory_space<hbm>>, %arg3: memref<4x16xf32, #tpu.memory_space<hbm>>, %arg4: memref<4x2048xi32, #tpu.memory_space<vmem_shared>>, %arg5: memref<2048xi32, #tpu.memory_space<vmem, sc_vector_subcore>>, %arg6: memref<16xf32, #tpu.memory_space<vmem, sc_vector_subcore>>, %arg7: memref<16xf32, #tpu.memory_space<vmem, sc_vector_subcore>>, %arg8: memref<!tpu.semaphore, #tpu.memory_space<semaphore_mem, sc_vector_subcore>>) attributes {dimension_semantics = [#tpu.dimension_semantics<core_parallel>], iteration_bounds = array<i64: 1>, scalar_prefetch = 0 : i64, scratch_operands = 5 : i64, tpu.core_type = #tpu.core_type<sc_scalar_subcore>, window_params = [{transform_indices = #map}, {transform_indices = #map1}, {transform_indices = #map}]} {
    "tpu.region"() ({
      %run_scoped3A = tpu.sem_alloc : memref<!tpu.dma_semaphore, #tpu.memory_space<semaphore_mem>>
      tpu.enqueue_dma source(%arg1 : memref<4x2048xi32, #tpu.memory_space<hbm>>) target(%arg4 : memref<4x2048xi32, #tpu.memory_space<vmem_shared>>) target_semaphore(%run_scoped3A : memref<!tpu.dma_semaphore, #tpu.memory_space<semaphore_mem>>)
      tpu.wait_dma2 semaphore(%run_scoped3A : memref<!tpu.dma_semaphore, #tpu.memory_space<semaphore_mem>>) src(%arg1 : memref<4x2048xi32, #tpu.memory_space<hbm>>) dst(%arg4 : memref<4x2048xi32, #tpu.memory_space<vmem_shared>>)
      tpu.yield
    }) : () -> ()
    %semaphore_signal3A = arith.constant 1 : i32
    %semaphore_signal3A_0 = arith.constant 0 : i32
    tpu.sem_signal %arg8, %semaphore_signal3A core_id %arg0 subcore_id %semaphore_signal3A_0 : memref<!tpu.semaphore, #tpu.memory_space<semaphore_mem, sc_vector_subcore>>
    %semaphore_signal3A_1 = arith.constant 1 : i32
    %semaphore_signal3A_2 = arith.constant 1 : i32
    tpu.sem_signal %arg8, %semaphore_signal3A_1 core_id %arg0 subcore_id %semaphore_signal3A_2 : memref<!tpu.semaphore, #tpu.memory_space<semaphore_mem, sc_vector_subcore>>
    %semaphore_signal3A_3 = arith.constant 1 : i32
    %semaphore_signal3A_4 = arith.constant 2 : i32
    tpu.sem_signal %arg8, %semaphore_signal3A_3 core_id %arg0 subcore_id %semaphore_signal3A_4 : memref<!tpu.semaphore, #tpu.memory_space<semaphore_mem, sc_vector_subcore>>
    %semaphore_signal3A_5 = arith.constant 1 : i32
    %semaphore_signal3A_6 = arith.constant 3 : i32
    tpu.sem_signal %arg8, %semaphore_signal3A_5 core_id %arg0 subcore_id %semaphore_signal3A_6 : memref<!tpu.semaphore, #tpu.memory_space<semaphore_mem, sc_vector_subcore>>
    return
  }
  func.func @_tec_argmax_pick(%arg0: i32, %arg1: i32, %arg2: memref<4x2048xi32, #tpu.memory_space<hbm>>, %arg3: memref<4x2048x4096xf32, #tpu.memory_space<hbm>>, %arg4: memref<4x16xf32, #tpu.memory_space<hbm>>, %arg5: memref<4x2048xi32, #tpu.memory_space<vmem_shared>>, %arg6: memref<2048xi32, #tpu.memory_space<vmem>>, %arg7: memref<16xf32, #tpu.memory_space<vmem>>, %arg8: memref<16xf32, #tpu.memory_space<vmem>>, %arg9: memref<!tpu.semaphore, #tpu.memory_space<semaphore_mem>>) attributes {dimension_semantics = [#tpu.dimension_semantics<core_parallel>, #tpu.dimension_semantics<subcore_parallel>], iteration_bounds = array<i64: 1, 4>, scalar_prefetch = 0 : i64, scratch_operands = 5 : i64, tpu.core_type = #tpu.core_type<sc_vector_subcore>, window_params = [{transform_indices = #map2}, {transform_indices = #map3}, {transform_indices = #map2}]} {
    %add3A = arith.addi %arg1, %arg0 : i32
    %lt3A = arith.constant 4 : i32
    %lt3A_0 = arith.cmpi slt, %add3A, %lt3A : i32
    %convert_element_type3A = arith.extui %lt3A_0 : i1 to i32
    %cond3A = arith.constant 0 : i32
    %cond3A_1 = arith.cmpi ne, %convert_element_type3A, %cond3A : i32
    scf.if %cond3A_1 {
      %semaphore_wait3A = arith.constant 1 : i32
      %semaphore_wait3A_2 = arith.constant true
      tpu.sem_wait %arg9, %semaphore_wait3A : memref<!tpu.semaphore, #tpu.memory_space<semaphore_mem>>
      "tpu.region"() ({
        %run_scoped3A = tpu.sem_alloc : memref<!tpu.dma_semaphore, #tpu.memory_space<semaphore_mem>>
        %dma_start3A = arith.constant 0 : i32
        %dma_start3A_1541 = tpu.memref_slice %arg5[%add3A, %dma_start3A] : memref<4x2048xi32, #tpu.memory_space<vmem_shared>> -> memref<1x2048xi32, #tpu.memory_space<vmem_shared>>
        %dma_start3A_1542 = tpu.memref_squeeze %dma_start3A_1541 : memref<1x2048xi32, #tpu.memory_space<vmem_shared>> -> memref<2048xi32, #tpu.memory_space<vmem_shared>>
        %dma_start3A_1543 = arith.constant 0 : i32
        %dma_start3A_1544 = tpu.memref_slice %arg5[%add3A, %dma_start3A_1543] : memref<4x2048xi32, #tpu.memory_space<vmem_shared>> -> memref<1x2048xi32, #tpu.memory_space<vmem_shared>>
        %dma_start3A_1545 = tpu.memref_squeeze %dma_start3A_1544 : memref<1x2048xi32, #tpu.memory_space<vmem_shared>> -> memref<2048xi32, #tpu.memory_space<vmem_shared>>
        tpu.enqueue_dma source(%dma_start3A_1545 : memref<2048xi32, #tpu.memory_space<vmem_shared>>) target(%arg6 : memref<2048xi32, #tpu.memory_space<vmem>>) target_semaphore(%run_scoped3A : memref<!tpu.dma_semaphore, #tpu.memory_space<semaphore_mem>>)
        %dma_wait3A = arith.constant 0 : i32
        %dma_wait3A_1546 = tpu.memref_slice %arg5[%add3A, %dma_wait3A] : memref<4x2048xi32, #tpu.memory_space<vmem_shared>> -> memref<1x2048xi32, #tpu.memory_space<vmem_shared>>
        %dma_wait3A_1547 = tpu.memref_squeeze %dma_wait3A_1546 : memref<1x2048xi32, #tpu.memory_space<vmem_shared>> -> memref<2048xi32, #tpu.memory_space<vmem_shared>>
        %dma_wait3A_1548 = arith.constant 0 : i32
        %dma_wait3A_1549 = tpu.memref_slice %arg5[%add3A, %dma_wait3A_1548] : memref<4x2048xi32, #tpu.memory_space<vmem_shared>> -> memref<1x2048xi32, #tpu.memory_space<vmem_shared>>
        %dma_wait3A_1550 = tpu.memref_squeeze %dma_wait3A_1549 : memref<1x2048xi32, #tpu.memory_space<vmem_shared>> -> memref<2048xi32, #tpu.memory_space<vmem_shared>>
        tpu.wait_dma2 semaphore(%run_scoped3A : memref<!tpu.dma_semaphore, #tpu.memory_space<semaphore_mem>>) src(%dma_wait3A_1550 : memref<2048xi32, #tpu.memory_space<vmem_shared>>) dst(%arg6 : memref<2048xi32, #tpu.memory_space<vmem>>)
        tpu.yield
      }) : () -> ()
      %iota3A = tpu.iota {dimensions = array<i32: 0>} : vector<16xi32>
      %broadcast_in_dim3A = arith.constant -2147483648 : i32
      %broadcast_in_dim3A_3 = vector.broadcast %broadcast_in_dim3A : i32 to vector<16xi32>
      %broadcast_in_dim3A_4 = arith.constant -2147483648 : i32
      %broadcast_in_dim3A_5 = vector.broadcast %broadcast_in_dim3A_4 : i32 to vector<16xi32>
      %broadcast_in_dim3A_6 = arith.constant -2147483648 : i32
      %broadcast_in_dim3A_7 = vector.broadcast %broadcast_in_dim3A_6 : i32 to vector<16xi32>
      %broadcast_in_dim3A_8 = arith.constant -2147483648 : i32
      %broadcast_in_dim3A_9 = vector.broadcast %broadcast_in_dim3A_8 : i32 to vector<16xi32>
      %broadcast_in_dim3A_10 = arith.constant -2147483648 : i32
      %broadcast_in_dim3A_11 = vector.broadcast %broadcast_in_dim3A_10 : i32 to vector<16xi32>
      %broadcast_in_dim3A_12 = arith.constant -2147483648 : i32
      %broadcast_in_dim3A_13 = vector.broadcast %broadcast_in_dim3A_12 : i32 to vector<16xi32>
      %broadcast_in_dim3A_14 = arith.constant -2147483648 : i32
      %broadcast_in_dim3A_15 = vector.broadcast %broadcast_in_dim3A_14 : i32 to vector<16xi32>
      %broadcast_in_dim3A_16 = arith.constant -2147483648 : i32
      %broadcast_in_dim3A_17 = vector.broadcast %broadcast_in_dim3A_16 : i32 to vector<16xi32>
      %sub3A = arith.constant 2047 : i32
      %sub3A_18 = vector.broadcast %sub3A : i32 to vector<16xi32>
      %sub3A_19 = arith.subi %sub3A_18, %iota3A : vector<16xi32>
      %get3A = arith.constant 0 : index
      %get3A_20 = tpu.vector_load %arg6[%get3A] {strides = array<i32>} : memref<2048xi32, #tpu.memory_space<vmem>>, vector<16xi32>,
      %get3A_21 = vector.shape_cast %get3A_20 : vector<16xi32> to vector<16xi32>
      %mul3A = arith.constant 2048 : i32
      %mul3A_22 = vector.broadcast %mul3A : i32 to vector<16xi32>
      %mul3A_23 = arith.muli %get3A_21, %mul3A_22 : vector<16xi32>
      %add3A_24 = arith.addi %mul3A_23, %sub3A_19 : vector<16xi32>
      %max3A = arith.maxsi %broadcast_in_dim3A_3, %add3A_24 : vector<16xi32>
      %sub3A_25 = arith.constant 16 : i32
      %sub3A_26 = vector.broadcast %sub3A_25 : i32 to vector<16xi32>
      %sub3A_27 = arith.subi %sub3A_19, %sub3A_26 : vector<16xi32>
      %get3A_28 = arith.constant 16 : index
      %get3A_29 = tpu.vector_load %arg6[%get3A_28] {strides = array<i32>} : memref<2048xi32, #tpu.memory_space<vmem>>, vector<16xi32>,
      %get3A_30 = vector.shape_cast %get3A_29 : vector<16xi32> to vector<16xi32>
      %mul3A_31 = arith.constant 2048 : i32
      %mul3A_32 = vector.broadcast %mul3A_31 : i32 to vector<16xi32>
      %mul3A_33 = arith.muli %get3A_30, %mul3A_32 : vector<16xi32>
      %add3A_34 = arith.addi %mul3A_33, %sub3A_27 : vector<16xi32>
      %max3A_35 = arith.maxsi %broadcast_in_dim3A_5, %add3A_34 : vector<16xi32>
      %sub3A_36 = arith.constant 16 : i32
      %sub3A_37 = vector.broadcast %sub3A_36 : i32 to vector<16xi32>
      %sub3A_38 = arith.subi %sub3A_27, %sub3A_37 : vector<16xi32>
      %get3A_39 = arith.constant 32 : index
      %get3A_40 = tpu.vector_load %arg6[%get3A_39] {strides = array<i32>} : memref<2048xi32, #tpu.memory_space<vmem>>, vector<16xi32>,
      %get3A_41 = vector.shape_cast %get3A_40 : vector<16xi32> to vector<16xi32>
      %mul3A_42 = arith.constant 2048 : i32
      %mul3A_43 = vector.broadcast %mul3A_42 : i32 to vector<16xi32>
      %mul3A_44 = arith.muli %get3A_41, %mul3A_43 : vector<16xi32>
      %add3A_45 = arith.addi %mul3A_44, %sub3A_38 : vector<16xi32>
      %max3A_46 = arith.maxsi %broadcast_in_dim3A_7, %add3A_45 : vector<16xi32>
      %sub3A_47 = arith.constant 16 : i32
      %sub3A_48 = vector.broadcast %sub3A_47 : i32 to vector<16xi32>
      %sub3A_49 = arith.subi %sub3A_38, %sub3A_48 : vector<16xi32>
      %get3A_50 = arith.constant 48 : index
      %get3A_51 = tpu.vector_load %arg6[%get3A_50] {strides = array<i32>} : memref<2048xi32, #tpu.memory_space<vmem>>, vector<16xi32>,
      %get3A_52 = vector.shape_cast %get3A_51 : vector<16xi32> to vector<16xi32>
      %mul3A_53 = arith.constant 2048 : i32
      %mul3A_54 = vector.broadcast %mul3A_53 : i32 to vector<16xi32>
      %mul3A_55 = arith.muli %get3A_52, %mul3A_54 : vector<16xi32>
      %add3A_56 = arith.addi %mul3A_55, %sub3A_49 : vector<16xi32>
      %max3A_57 = arith.maxsi %broadcast_in_dim3A_9, %add3A_56 : vector<16xi32>
      %sub3A_58 = arith.constant 16 : i32
      %sub3A_59 = vector.broadcast %sub3A_58 : i32 to vector<16xi32>
      %sub3A_60 = arith.subi %sub3A_49, %sub3A_59 : vector<16xi32>
      %get3A_61 = arith.constant 64 : index
      %get3A_62 = tpu.vector_load %arg6[%get3A_61] {strides = array<i32>} : memref<2048xi32, #tpu.memory_space<vmem>>, vector<16xi32>,
      %get3A_63 = vector.shape_cast %get3A_62 : vector<16xi32> to vector<16xi32>
      %mul3A_64 = arith.constant 2048 : i32
      %mul3A_65 = vector.broadcast %mul3A_64 : i32 to vector<16xi32>
      %mul3A_66 = arith.muli %get3A_63, %mul3A_65 : vector<16xi32>
      %add3A_67 = arith.addi %mul3A_66, %sub3A_60 : vector<16xi32>
      %max3A_68 = arith.maxsi %broadcast_in_dim3A_11, %add3A_67 : vector<16xi32>
      %sub3A_69 = arith.constant 16 : i32
      %sub3A_70 = vector.broadcast %sub3A_69 : i32 to vector<16xi32>
      %sub3A_71 = arith.subi %sub3A_60, %sub3A_70 : vector<16xi32>
      %get3A_72 = arith.constant 80 : index
      %get3A_73 = tpu.vector_load %arg6[%get3A_72] {strides = array<i32>} : memref<2048xi32, #tpu.memory_space<vmem>>, vector<16xi32>,
      %get3A_74 = vector.shape_cast %get3A_73 : vector<16xi32> to vector<16xi32>
      %mul3A_75 = arith.constant 2048 : i32
      %mul3A_76 = vector.broadcast %mul3A_75 : i32 to vector<16xi32>
      %mul3A_77 = arith.muli %get3A_74, %mul3A_76 : vector<16xi32>
      %add3A_78 = arith.addi %mul3A_77, %sub3A_71 : vector<16xi32>
      %max3A_79 = arith.maxsi %broadcast_in_dim3A_13, %add3A_78 : vector<16xi32>
      %sub3A_80 = arith.constant 16 : i32
      %sub3A_81 = vector.broadcast %sub3A_80 : i32 to vector<16xi32>
      %sub3A_82 = arith.subi %sub3A_71, %sub3A_81 : vector<16xi32>
      %get3A_83 = arith.constant 96 : index
      %get3A_84 = tpu.vector_load %arg6[%get3A_83] {strides = array<i32>} : memref<2048xi32, #tpu.memory_space<vmem>>, vector<16xi32>,
      %get3A_85 = vector.shape_cast %get3A_84 : vector<16xi32> to vector<16xi32>
      %mul3A_86 = arith.constant 2048 : i32
      %mul3A_87 = vector.broadcast %mul3A_86 : i32 to vector<16xi32>
      %mul3A_88 = arith.muli %get3A_85, %mul3A_87 : vector<16xi32>
      %add3A_89 = arith.addi %mul3A_88, %sub3A_82 : vector<16xi32>
      %max3A_90 = arith.maxsi %broadcast_in_dim3A_15, %add3A_89 : vector<16xi32>
      %sub3A_91 = arith.constant 16 : i32
      %sub3A_92 = vector.broadcast %sub3A_91 : i32 to vector<16xi32>
      %sub3A_93 = arith.subi %sub3A_82, %sub3A_92 : vector<16xi32>
      %get3A_94 = arith.constant 112 : index
      %get3A_95 = tpu.vector_load %arg6[%get3A_94] {strides = array<i32>} : memref<2048xi32, #tpu.memory_space<vmem>>, vector<16xi32>,
      %get3A_96 = vector.shape_cast %get3A_95 : vector<16xi32> to vector<16xi32>
      %mul3A_97 = arith.constant 2048 : i32
      %mul3A_98 = vector.broadcast %mul3A_97 : i32 to vector<16xi32>
      %mul3A_99 = arith.muli %get3A_96, %mul3A_98 : vector<16xi32>
      %add3A_100 = arith.addi %mul3A_99, %sub3A_93 : vector<16xi32>
      %max3A_101 = arith.maxsi %broadcast_in_dim3A_17, %add3A_100 : vector<16xi32>
      %sub3A_102 = arith.constant 16 : i32
      %sub3A_103 = vector.broadcast %sub3A_102 : i32 to vector<16xi32>
      %sub3A_104 = arith.subi %sub3A_93, %sub3A_103 : vector<16xi32>
      %get3A_105 = arith.constant 128 : index
      %get3A_106 = tpu.vector_load %arg6[%get3A_105] {strides = array<i32>} : memref<2048xi32, #tpu.memory_space<vmem>>, vector<16xi32>,
      %get3A_107 = vector.shape_cast %get3A_106 : vector<16xi32> to vector<16xi32>
      %mul3A_108 = arith.constant 2048 : i32
      %mul3A_109 = vector.broadcast %mul3A_108 : i32 to vector<16xi32>
      %mul3A_110 = arith.muli %get3A_107, %mul3A_109 : vector<16xi32>
      %add3A_111 = arith.addi %mul3A_110, %sub3A_104 : vector<16xi32>
      %max3A_112 = arith.maxsi %max3A, %add3A_111 : vector<16xi32>
      %sub3A_113 = arith.constant 16 : i32
      %sub3A_114 = vector.broadcast %sub3A_113 : i32 to vector<16xi32>
      %sub3A_115 = arith.subi %sub3A_104, %sub3A_114 : vector<16xi32>
      %get3A_116 = arith.constant 144 : index
      %get3A_117 = tpu.vector_load %arg6[%get3A_116] {strides = array<i32>} : memref<2048xi32, #tpu.memory_space<vmem>>, vector<16xi32>,
      %get3A_118 = vector.shape_cast %get3A_117 : vector<16xi32> to vector<16xi32>
      %mul3A_119 = arith.constant 2048 : i32
      %mul3A_120 = vector.broadcast %mul3A_119 : i32 to vector<16xi32>
      %mul3A_121 = arith.muli %get3A_118, %mul3A_120 : vector<16xi32>
      %add3A_122 = arith.addi %mul3A_121, %sub3A_115 : vector<16xi32>
      %max3A_123 = arith.maxsi %max3A_35, %add3A_122 : vector<16xi32>
      %sub3A_124 = arith.constant 16 : i32
      %sub3A_125 = vector.broadcast %sub3A_124 : i32 to vector<16xi32>
      %sub3A_126 = arith.subi %sub3A_115, %sub3A_125 : vector<16xi32>
      %get3A_127 = arith.constant 160 : index
      %get3A_128 = tpu.vector_load %arg6[%get3A_127] {strides = array<i32>} : memref<2048xi32, #tpu.memory_space<vmem>>, vector<16xi32>,
      %get3A_129 = vector.shape_cast %get3A_128 : vector<16xi32> to vector<16xi32>
      %mul3A_130 = arith.constant 2048 : i32
      %mul3A_131 = vector.broadcast %mul3A_130 : i32 to vector<16xi32>
      %mul3A_132 = arith.muli %get3A_129, %mul3A_131 : vector<16xi32>
      %add3A_133 = arith.addi %mul3A_132, %sub3A_126 : vector<16xi32>
      %max3A_134 = arith.maxsi %max3A_46, %add3A_133 : vector<16xi32>
      %sub3A_135 = arith.constant 16 : i32
      %sub3A_136 = vector.broadcast %sub3A_135 : i32 to vector<16xi32>
      %sub3A_137 = arith.subi %sub3A_126, %sub3A_136 : vector<16xi32>
      %get3A_138 = arith.constant 176 : index
      %get3A_139 = tpu.vector_load %arg6[%get3A_138] {strides = array<i32>} : memref<2048xi32, #tpu.memory_space<vmem>>, vector<16xi32>,
      %get3A_140 = vector.shape_cast %get3A_139 : vector<16xi32> to vector<16xi32>
      %mul3A_141 = arith.constant 2048 : i32
      %mul3A_142 = vector.broadcast %mul3A_141 : i32 to vector<16xi32>
      %mul3A_143 = arith.muli %get3A_140, %mul3A_142 : vector<16xi32>
      %add3A_144 = arith.addi %mul3A_143, %sub3A_137 : vector<16xi32>
      %max3A_145 = arith.maxsi %max3A_57, %add3A_144 : vector<16xi32>
      %sub3A_146 = arith.constant 16 : i32
      %sub3A_147 = vector.broadcast %sub3A_146 : i32 to vector<16xi32>
      %sub3A_148 = arith.subi %sub3A_137, %sub3A_147 : vector<16xi32>
      %get3A_149 = arith.constant 192 : index
      %get3A_150 = tpu.vector_load %arg6[%get3A_149] {strides = array<i32>} : memref<2048xi32, #tpu.memory_space<vmem>>, vector<16xi32>,
      %get3A_151 = vector.shape_cast %get3A_150 : vector<16xi32> to vector<16xi32>
      %mul3A_152 = arith.constant 2048 : i32
      %mul3A_153 = vector.broadcast %mul3A_152 : i32 to vector<16xi32>
      %mul3A_154 = arith.muli %get3A_151, %mul3A_153 : vector<16xi32>
      %add3A_155 = arith.addi %mul3A_154, %sub3A_148 : vector<16xi32>
      %max3A_156 = arith.maxsi %max3A_68, %add3A_155 : vector<16xi32>
      %sub3A_157 = arith.constant 16 : i32
      %sub3A_158 = vector.broadcast %sub3A_157 : i32 to vector<16xi32>
      %sub3A_159 = arith.subi %sub3A_148, %sub3A_158 : vector<16xi32>
      %get3A_160 = arith.constant 208 : index
      %get3A_161 = tpu.vector_load %arg6[%get3A_160] {strides = array<i32>} : memref<2048xi32, #tpu.memory_space<vmem>>, vector<16xi32>,
      %get3A_162 = vector.shape_cast %get3A_161 : vector<16xi32> to vector<16xi32>
      %mul3A_163 = arith.constant 2048 : i32
      %mul3A_164 = vector.broadcast %mul3A_163 : i32 to vector<16xi32>
      %mul3A_165 = arith.muli %get3A_162, %mul3A_164 : vector<16xi32>
      %add3A_166 = arith.addi %mul3A_165, %sub3A_159 : vector<16xi32>
      %max3A_167 = arith.maxsi %max3A_79, %add3A_166 : vector<16xi32>
      %sub3A_168 = arith.constant 16 : i32
      %sub3A_169 = vector.broadcast %sub3A_168 : i32 to vector<16xi32>
      %sub3A_170 = arith.subi %sub3A_159, %sub3A_169 : vector<16xi32>
      %get3A_171 = arith.constant 224 : index
      %get3A_172 = tpu.vector_load %arg6[%get3A_171] {strides = array<i32>} : memref<2048xi32, #tpu.memory_space<vmem>>, vector<16xi32>,
      %get3A_173 = vector.shape_cast %get3A_172 : vector<16xi32> to vector<16xi32>
      %mul3A_174 = arith.constant 2048 : i32
      %mul3A_175 = vector.broadcast %mul3A_174 : i32 to vector<16xi32>
      %mul3A_176 = arith.muli %get3A_173, %mul3A_175 : vector<16xi32>
      %add3A_177 = arith.addi %mul3A_176, %sub3A_170 : vector<16xi32>
      %max3A_178 = arith.maxsi %max3A_90, %add3A_177 : vector<16xi32>
      %sub3A_179 = arith.constant 16 : i32
      %sub3A_180 = vector.broadcast %sub3A_179 : i32 to vector<16xi32>
      %sub3A_181 = arith.subi %sub3A_170, %sub3A_180 : vector<16xi32>
      %get3A_182 = arith.constant 240 : index
      %get3A_183 = tpu.vector_load %arg6[%get3A_182] {strides = array<i32>} : memref<2048xi32, #tpu.memory_space<vmem>>, vector<16xi32>,
      %get3A_184 = vector.shape_cast %get3A_183 : vector<16xi32> to vector<16xi32>
      %mul3A_185 = arith.constant 2048 : i32
      %mul3A_186 = vector.broadcast %mul3A_185 : i32 to vector<16xi32>
      %mul3A_187 = arith.muli %get3A_184, %mul3A_186 : vector<16xi32>
      %add3A_188 = arith.addi %mul3A_187, %sub3A_181 : vector<16xi32>
      %max3A_189 = arith.maxsi %max3A_101, %add3A_188 : vector<16xi32>
      %sub3A_190 = arith.constant 16 : i32
      %sub3A_191 = vector.broadcast %sub3A_190 : i32 to vector<16xi32>
      %sub3A_192 = arith.subi %sub3A_181, %sub3A_191 : vector<16xi32>
      %get3A_193 = arith.constant 256 : index
      %get3A_194 = tpu.vector_load %arg6[%get3A_193] {strides = array<i32>} : memref<2048xi32, #tpu.memory_space<vmem>>, vector<16xi32>,
      %get3A_195 = vector.shape_cast %get3A_194 : vector<16xi32> to vector<16xi32>
      %mul3A_196 = arith.constant 2048 : i32
      %mul3A_197 = vector.broadcast %mul3A_196 : i32 to vector<16xi32>
      %mul3A_198 = arith.muli %get3A_195, %mul3A_197 : vector<16xi32>
      %add3A_199 = arith.addi %mul3A_198, %sub3A_192 : vector<16xi32>
      %max3A_200 = arith.maxsi %max3A_112, %add3A_199 : vector<16xi32>
      %sub3A_201 = arith.constant 16 : i32
      %sub3A_202 = vector.broadcast %sub3A_201 : i32 to vector<16xi32>
      %sub3A_203 = arith.subi %sub3A_192, %sub3A_202 : vector<16xi32>
      %get3A_204 = arith.constant 272 : index
      %get3A_205 = tpu.vector_load %arg6[%get3A_204] {strides = array<i32>} : memref<2048xi32, #tpu.memory_space<vmem>>, vector<16xi32>,
      %get3A_206 = vector.shape_cast %get3A_205 : vector<16xi32> to vector<16xi32>
      %mul3A_207 = arith.constant 2048 : i32
      %mul3A_208 = vector.broadcast %mul3A_207 : i32 to vector<16xi32>
      %mul3A_209 = arith.muli %get3A_206, %mul3A_208 : vector<16xi32>
      %add3A_210 = arith.addi %mul3A_209, %sub3A_203 : vector<16xi32>
      %max3A_211 = arith.maxsi %max3A_123, %add3A_210 : vector<16xi32>
      %sub3A_212 = arith.constant 16 : i32
      %sub3A_213 = vector.broadcast %sub3A_212 : i32 to vector<16xi32>
      %sub3A_214 = arith.subi %sub3A_203, %sub3A_213 : vector<16xi32>
      %get3A_215 = arith.constant 288 : index
      %get3A_216 = tpu.vector_load %arg6[%get3A_215] {strides = array<i32>} : memref<2048xi32, #tpu.memory_space<vmem>>, vector<16xi32>,
      %get3A_217 = vector.shape_cast %get3A_216 : vector<16xi32> to vector<16xi32>
      %mul3A_218 = arith.constant 2048 : i32
      %mul3A_219 = vector.broadcast %mul3A_218 : i32 to vector<16xi32>
      %mul3A_220 = arith.muli %get3A_217, %mul3A_219 : vector<16xi32>
      %add3A_221 = arith.addi %mul3A_220, %sub3A_214 : vector<16xi32>
      %max3A_222 = arith.maxsi %max3A_134, %add3A_221 : vector<16xi32>
      %sub3A_223 = arith.constant 16 : i32
      %sub3A_224 = vector.broadcast %sub3A_223 : i32 to vector<16xi32>
      %sub3A_225 = arith.subi %sub3A_214, %sub3A_224 : vector<16xi32>
      %get3A_226 = arith.constant 304 : index
      %get3A_227 = tpu.vector_load %arg6[%get3A_226] {strides = array<i32>} : memref<2048xi32, #tpu.memory_space<vmem>>, vector<16xi32>,
      %get3A_228 = vector.shape_cast %get3A_227 : vector<16xi32> to vector<16xi32>
      %mul3A_229 = arith.constant 2048 : i32
      %mul3A_230 = vector.broadcast %mul3A_229 : i32 to vector<16xi32>
      %mul3A_231 = arith.muli %get3A_228, %mul3A_230 : vector<16xi32>
      %add3A_232 = arith.addi %mul3A_231, %sub3A_225 : vector<16xi32>
      %max3A_233 = arith.maxsi %max3A_145, %add3A_232 : vector<16xi32>
      %sub3A_234 = arith.constant 16 : i32
      %sub3A_235 = vector.broadcast %sub3A_234 : i32 to vector<16xi32>
      %sub3A_236 = arith.subi %sub3A_225, %sub3A_235 : vector<16xi32>
      %get3A_237 = arith.constant 320 : index
      %get3A_238 = tpu.vector_load %arg6[%get3A_237] {strides = array<i32>} : memref<2048xi32, #tpu.memory_space<vmem>>, vector<16xi32>,
      %get3A_239 = vector.shape_cast %get3A_238 : vector<16xi32> to vector<16xi32>
      %mul3A_240 = arith.constant 2048 : i32
      %mul3A_241 = vector.broadcast %mul3A_240 : i32 to vector<16xi32>
      %mul3A_242 = arith.muli %get3A_239, %mul3A_241 : vector<16xi32>
      %add3A_243 = arith.addi %mul3A_242, %sub3A_236 : vector<16xi32>
      %max3A_244 = arith.maxsi %max3A_156, %add3A_243 : vector<16xi32>
      %sub3A_245 = arith.constant 16 : i32
      %sub3A_246 = vector.broadcast %sub3A_245 : i32 to vector<16xi32>
      %sub3A_247 = arith.subi %sub3A_236, %sub3A_246 : vector<16xi32>
      %get3A_248 = arith.constant 336 : index
      %get3A_249 = tpu.vector_load %arg6[%get3A_248] {strides = array<i32>} : memref<2048xi32, #tpu.memory_space<vmem>>, vector<16xi32>,
      %get3A_250 = vector.shape_cast %get3A_249 : vector<16xi32> to vector<16xi32>
      %mul3A_251 = arith.constant 2048 : i32
      %mul3A_252 = vector.broadcast %mul3A_251 : i32 to vector<16xi32>
      %mul3A_253 = arith.muli %get3A_250, %mul3A_252 : vector<16xi32>
      %add3A_254 = arith.addi %mul3A_253, %sub3A_247 : vector<16xi32>
      %max3A_255 = arith.maxsi %max3A_167, %add3A_254 : vector<16xi32>
      %sub3A_256 = arith.constant 16 : i32
      %sub3A_257 = vector.broadcast %sub3A_256 : i32 to vector<16xi32>
      %sub3A_258 = arith.subi %sub3A_247, %sub3A_257 : vector<16xi32>
      %get3A_259 = arith.constant 352 : index
      %get3A_260 = tpu.vector_load %arg6[%get3A_259] {strides = array<i32>} : memref<2048xi32, #tpu.memory_space<vmem>>, vector<16xi32>,
      %get3A_261 = vector.shape_cast %get3A_260 : vector<16xi32> to vector<16xi32>
      %mul3A_262 = arith.constant 2048 : i32
      %mul3A_263 = vector.broadcast %mul3A_262 : i32 to vector<16xi32>
      %mul3A_264 = arith.muli %get3A_261, %mul3A_263 : vector<16xi32>
      %add3A_265 = arith.addi %mul3A_264, %sub3A_258 : vector<16xi32>
      %max3A_266 = arith.maxsi %max3A_178, %add3A_265 : vector<16xi32>
      %sub3A_267 = arith.constant 16 : i32
      %sub3A_268 = vector.broadcast %sub3A_267 : i32 to vector<16xi32>
      %sub3A_269 = arith.subi %sub3A_258, %sub3A_268 : vector<16xi32>
      %get3A_270 = arith.constant 368 : index
      %get3A_271 = tpu.vector_load %arg6[%get3A_270] {strides = array<i32>} : memref<2048xi32, #tpu.memory_space<vmem>>, vector<16xi32>,
      %get3A_272 = vector.shape_cast %get3A_271 : vector<16xi32> to vector<16xi32>
      %mul3A_273 = arith.constant 2048 : i32
      %mul3A_274 = vector.broadcast %mul3A_273 : i32 to vector<16xi32>
      %mul3A_275 = arith.muli %get3A_272, %mul3A_274 : vector<16xi32>
      %add3A_276 = arith.addi %mul3A_275, %sub3A_269 : vector<16xi32>
      %max3A_277 = arith.maxsi %max3A_189, %add3A_276 : vector<16xi32>
      %sub3A_278 = arith.constant 16 : i32
      %sub3A_279 = vector.broadcast %sub3A_278 : i32 to vector<16xi32>
      %sub3A_280 = arith.subi %sub3A_269, %sub3A_279 : vector<16xi32>
      %get3A_281 = arith.constant 384 : index
      %get3A_282 = tpu.vector_load %arg6[%get3A_281] {strides = array<i32>} : memref<2048xi32, #tpu.memory_space<vmem>>, vector<16xi32>,
      %get3A_283 = vector.shape_cast %get3A_282 : vector<16xi32> to vector<16xi32>
      %mul3A_284 = arith.constant 2048 : i32
      %mul3A_285 = vector.broadcast %mul3A_284 : i32 to vector<16xi32>
      %mul3A_286 = arith.muli %get3A_283, %mul3A_285 : vector<16xi32>
      %add3A_287 = arith.addi %mul3A_286, %sub3A_280 : vector<16xi32>
      %max3A_288 = arith.maxsi %max3A_200, %add3A_287 : vector<16xi32>
      %sub3A_289 = arith.constant 16 : i32
      %sub3A_290 = vector.broadcast %sub3A_289 : i32 to vector<16xi32>
      %sub3A_291 = arith.subi %sub3A_280, %sub3A_290 : vector<16xi32>
      %get3A_292 = arith.constant 400 : index
      %get3A_293 = tpu.vector_load %arg6[%get3A_292] {strides = array<i32>} : memref<2048xi32, #tpu.memory_space<vmem>>, vector<16xi32>,
      %get3A_294 = vector.shape_cast %get3A_293 : vector<16xi32> to vector<16xi32>
      %mul3A_295 = arith.constant 2048 : i32
      %mul3A_296 = vector.broadcast %mul3A_295 : i32 to vector<16xi32>
      %mul3A_297 = arith.muli %get3A_294, %mul3A_296 : vector<16xi32>
      %add3A_298 = arith.addi %mul3A_297, %sub3A_291 : vector<16xi32>
      %max3A_299 = arith.maxsi %max3A_211, %add3A_298 : vector<16xi32>
      %sub3A_300 = arith.constant 16 : i32
      %sub3A_301 = vector.broadcast %sub3A_300 : i32 to vector<16xi32>
      %sub3A_302 = arith.subi %sub3A_291, %sub3A_301 : vector<16xi32>
      %get3A_303 = arith.constant 416 : index
      %get3A_304 = tpu.vector_load %arg6[%get3A_303] {strides = array<i32>} : memref<2048xi32, #tpu.memory_space<vmem>>, vector<16xi32>,
      %get3A_305 = vector.shape_cast %get3A_304 : vector<16xi32> to vector<16xi32>
      %mul3A_306 = arith.constant 2048 : i32
      %mul3A_307 = vector.broadcast %mul3A_306 : i32 to vector<16xi32>
      %mul3A_308 = arith.muli %get3A_305, %mul3A_307 : vector<16xi32>
      %add3A_309 = arith.addi %mul3A_308, %sub3A_302 : vector<16xi32>
      %max3A_310 = arith.maxsi %max3A_222, %add3A_309 : vector<16xi32>
      %sub3A_311 = arith.constant 16 : i32
      %sub3A_312 = vector.broadcast %sub3A_311 : i32 to vector<16xi32>
      %sub3A_313 = arith.subi %sub3A_302, %sub3A_312 : vector<16xi32>
      %get3A_314 = arith.constant 432 : index
      %get3A_315 = tpu.vector_load %arg6[%get3A_314] {strides = array<i32>} : memref<2048xi32, #tpu.memory_space<vmem>>, vector<16xi32>,
      %get3A_316 = vector.shape_cast %get3A_315 : vector<16xi32> to vector<16xi32>
      %mul3A_317 = arith.constant 2048 : i32
      %mul3A_318 = vector.broadcast %mul3A_317 : i32 to vector<16xi32>
      %mul3A_319 = arith.muli %get3A_316, %mul3A_318 : vector<16xi32>
      %add3A_320 = arith.addi %mul3A_319, %sub3A_313 : vector<16xi32>
      %max3A_321 = arith.maxsi %max3A_233, %add3A_320 : vector<16xi32>
      %sub3A_322 = arith.constant 16 : i32
      %sub3A_323 = vector.broadcast %sub3A_322 : i32 to vector<16xi32>
      %sub3A_324 = arith.subi %sub3A_313, %sub3A_323 : vector<16xi32>
      %get3A_325 = arith.constant 448 : index
      %get3A_326 = tpu.vector_load %arg6[%get3A_325] {strides = array<i32>} : memref<2048xi32, #tpu.memory_space<vmem>>, vector<16xi32>,
      %get3A_327 = vector.shape_cast %get3A_326 : vector<16xi32> to vector<16xi32>
      %mul3A_328 = arith.constant 2048 : i32
      %mul3A_329 = vector.broadcast %mul3A_328 : i32 to vector<16xi32>
      %mul3A_330 = arith.muli %get3A_327, %mul3A_329 : vector<16xi32>
      %add3A_331 = arith.addi %mul3A_330, %sub3A_324 : vector<16xi32>
      %max3A_332 = arith.maxsi %max3A_244, %add3A_331 : vector<16xi32>
      %sub3A_333 = arith.constant 16 : i32
      %sub3A_334 = vector.broadcast %sub3A_333 : i32 to vector<16xi32>
      %sub3A_335 = arith.subi %sub3A_324, %sub3A_334 : vector<16xi32>
      %get3A_336 = arith.constant 464 : index
      %get3A_337 = tpu.vector_load %arg6[%get3A_336] {strides = array<i32>} : memref<2048xi32, #tpu.memory_space<vmem>>, vector<16xi32>,
      %get3A_338 = vector.shape_cast %get3A_337 : vector<16xi32> to vector<16xi32>
      %mul3A_339 = arith.constant 2048 : i32
      %mul3A_340 = vector.broadcast %mul3A_339 : i32 to vector<16xi32>
      %mul3A_341 = arith.muli %get3A_338, %mul3A_340 : vector<16xi32>
      %add3A_342 = arith.addi %mul3A_341, %sub3A_335 : vector<16xi32>
      %max3A_343 = arith.maxsi %max3A_255, %add3A_342 : vector<16xi32>
      %sub3A_344 = arith.constant 16 : i32
      %sub3A_345 = vector.broadcast %sub3A_344 : i32 to vector<16xi32>
      %sub3A_346 = arith.subi %sub3A_335, %sub3A_345 : vector<16xi32>
      %get3A_347 = arith.constant 480 : index
      %get3A_348 = tpu.vector_load %arg6[%get3A_347] {strides = array<i32>} : memref<2048xi32, #tpu.memory_space<vmem>>, vector<16xi32>,
      %get3A_349 = vector.shape_cast %get3A_348 : vector<16xi32> to vector<16xi32>
      %mul3A_350 = arith.constant 2048 : i32
      %mul3A_351 = vector.broadcast %mul3A_350 : i32 to vector<16xi32>
      %mul3A_352 = arith.muli %get3A_349, %mul3A_351 : vector<16xi32>
      %add3A_353 = arith.addi %mul3A_352, %sub3A_346 : vector<16xi32>
      %max3A_354 = arith.maxsi %max3A_266, %add3A_353 : vector<16xi32>
      %sub3A_355 = arith.constant 16 : i32
      %sub3A_356 = vector.broadcast %sub3A_355 : i32 to vector<16xi32>
      %sub3A_357 = arith.subi %sub3A_346, %sub3A_356 : vector<16xi32>
      %get3A_358 = arith.constant 496 : index
      %get3A_359 = tpu.vector_load %arg6[%get3A_358] {strides = array<i32>} : memref<2048xi32, #tpu.memory_space<vmem>>, vector<16xi32>,
      %get3A_360 = vector.shape_cast %get3A_359 : vector<16xi32> to vector<16xi32>
      %mul3A_361 = arith.constant 2048 : i32
      %mul3A_362 = vector.broadcast %mul3A_361 : i32 to vector<16xi32>
      %mul3A_363 = arith.muli %get3A_360, %mul3A_362 : vector<16xi32>
      %add3A_364 = arith.addi %mul3A_363, %sub3A_357 : vector<16xi32>
      %max3A_365 = arith.maxsi %max3A_277, %add3A_364 : vector<16xi32>
      %sub3A_366 = arith.constant 16 : i32
      %sub3A_367 = vector.broadcast %sub3A_366 : i32 to vector<16xi32>
      %sub3A_368 = arith.subi %sub3A_357, %sub3A_367 : vector<16xi32>
      %get3A_369 = arith.constant 512 : index
      %get3A_370 = tpu.vector_load %arg6[%get3A_369] {strides = array<i32>} : memref<2048xi32, #tpu.memory_space<vmem>>, vector<16xi32>,
      %get3A_371 = vector.shape_cast %get3A_370 : vector<16xi32> to vector<16xi32>
      %mul3A_372 = arith.constant 2048 : i32
      %mul3A_373 = vector.broadcast %mul3A_372 : i32 to vector<16xi32>
      %mul3A_374 = arith.muli %get3A_371, %mul3A_373 : vector<16xi32>
      %add3A_375 = arith.addi %mul3A_374, %sub3A_368 : vector<16xi32>
      %max3A_376 = arith.maxsi %max3A_288, %add3A_375 : vector<16xi32>
      %sub3A_377 = arith.constant 16 : i32
      %sub3A_378 = vector.broadcast %sub3A_377 : i32 to vector<16xi32>
      %sub3A_379 = arith.subi %sub3A_368, %sub3A_378 : vector<16xi32>
      %get3A_380 = arith.constant 528 : index
      %get3A_381 = tpu.vector_load %arg6[%get3A_380] {strides = array<i32>} : memref<2048xi32, #tpu.memory_space<vmem>>, vector<16xi32>,
      %get3A_382 = vector.shape_cast %get3A_381 : vector<16xi32> to vector<16xi32>
      %mul3A_383 = arith.constant 2048 : i32
      %mul3A_384 = vector.broadcast %mul3A_383 : i32 to vector<16xi32>
      %mul3A_385 = arith.muli %get3A_382, %mul3A_384 : vector<16xi32>
      %add3A_386 = arith.addi %mul3A_385, %sub3A_379 : vector<16xi32>
      %max3A_387 = arith.maxsi %max3A_299, %add3A_386 : vector<16xi32>
      %sub3A_388 = arith.constant 16 : i32
      %sub3A_389 = vector.broadcast %sub3A_388 : i32 to vector<16xi32>
      %sub3A_390 = arith.subi %sub3A_379, %sub3A_389 : vector<16xi32>
      %get3A_391 = arith.constant 544 : index
      %get3A_392 = tpu.vector_load %arg6[%get3A_391] {strides = array<i32>} : memref<2048xi32, #tpu.memory_space<vmem>>, vector<16xi32>,
      %get3A_393 = vector.shape_cast %get3A_392 : vector<16xi32> to vector<16xi32>
      %mul3A_394 = arith.constant 2048 : i32
      %mul3A_395 = vector.broadcast %mul3A_394 : i32 to vector<16xi32>
      %mul3A_396 = arith.muli %get3A_393, %mul3A_395 : vector<16xi32>
      %add3A_397 = arith.addi %mul3A_396, %sub3A_390 : vector<16xi32>
      %max3A_398 = arith.maxsi %max3A_310, %add3A_397 : vector<16xi32>
      %sub3A_399 = arith.constant 16 : i32
      %sub3A_400 = vector.broadcast %sub3A_399 : i32 to vector<16xi32>
      %sub3A_401 = arith.subi %sub3A_390, %sub3A_400 : vector<16xi32>
      %get3A_402 = arith.constant 560 : index
      %get3A_403 = tpu.vector_load %arg6[%get3A_402] {strides = array<i32>} : memref<2048xi32, #tpu.memory_space<vmem>>, vector<16xi32>,
      %get3A_404 = vector.shape_cast %get3A_403 : vector<16xi32> to vector<16xi32>
      %mul3A_405 = arith.constant 2048 : i32
      %mul3A_406 = vector.broadcast %mul3A_405 : i32 to vector<16xi32>
      %mul3A_407 = arith.muli %get3A_404, %mul3A_406 : vector<16xi32>
      %add3A_408 = arith.addi %mul3A_407, %sub3A_401 : vector<16xi32>
      %max3A_409 = arith.maxsi %max3A_321, %add3A_408 : vector<16xi32>
      %sub3A_410 = arith.constant 16 : i32
      %sub3A_411 = vector.broadcast %sub3A_410 : i32 to vector<16xi32>
      %sub3A_412 = arith.subi %sub3A_401, %sub3A_411 : vector<16xi32>
      %get3A_413 = arith.constant 576 : index
      %get3A_414 = tpu.vector_load %arg6[%get3A_413] {strides = array<i32>} : memref<2048xi32, #tpu.memory_space<vmem>>, vector<16xi32>,
      %get3A_415 = vector.shape_cast %get3A_414 : vector<16xi32> to vector<16xi32>
      %mul3A_416 = arith.constant 2048 : i32
      %mul3A_417 = vector.broadcast %mul3A_416 : i32 to vector<16xi32>
      %mul3A_418 = arith.muli %get3A_415, %mul3A_417 : vector<16xi32>
      %add3A_419 = arith.addi %mul3A_418, %sub3A_412 : vector<16xi32>
      %max3A_420 = arith.maxsi %max3A_332, %add3A_419 : vector<16xi32>
      %sub3A_421 = arith.constant 16 : i32
      %sub3A_422 = vector.broadcast %sub3A_421 : i32 to vector<16xi32>
      %sub3A_423 = arith.subi %sub3A_412, %sub3A_422 : vector<16xi32>
      %get3A_424 = arith.constant 592 : index
      %get3A_425 = tpu.vector_load %arg6[%get3A_424] {strides = array<i32>} : memref<2048xi32, #tpu.memory_space<vmem>>, vector<16xi32>,
      %get3A_426 = vector.shape_cast %get3A_425 : vector<16xi32> to vector<16xi32>
      %mul3A_427 = arith.constant 2048 : i32
      %mul3A_428 = vector.broadcast %mul3A_427 : i32 to vector<16xi32>
      %mul3A_429 = arith.muli %get3A_426, %mul3A_428 : vector<16xi32>
      %add3A_430 = arith.addi %mul3A_429, %sub3A_423 : vector<16xi32>
      %max3A_431 = arith.maxsi %max3A_343, %add3A_430 : vector<16xi32>
      %sub3A_432 = arith.constant 16 : i32
      %sub3A_433 = vector.broadcast %sub3A_432 : i32 to vector<16xi32>
      %sub3A_434 = arith.subi %sub3A_423, %sub3A_433 : vector<16xi32>
      %get3A_435 = arith.constant 608 : index
      %get3A_436 = tpu.vector_load %arg6[%get3A_435] {strides = array<i32>} : memref<2048xi32, #tpu.memory_space<vmem>>, vector<16xi32>,
      %get3A_437 = vector.shape_cast %get3A_436 : vector<16xi32> to vector<16xi32>
      %mul3A_438 = arith.constant 2048 : i32
      %mul3A_439 = vector.broadcast %mul3A_438 : i32 to vector<16xi32>
      %mul3A_440 = arith.muli %get3A_437, %mul3A_439 : vector<16xi32>
      %add3A_441 = arith.addi %mul3A_440, %sub3A_434 : vector<16xi32>
      %max3A_442 = arith.maxsi %max3A_354, %add3A_441 : vector<16xi32>
      %sub3A_443 = arith.constant 16 : i32
      %sub3A_444 = vector.broadcast %sub3A_443 : i32 to vector<16xi32>
      %sub3A_445 = arith.subi %sub3A_434, %sub3A_444 : vector<16xi32>
      %get3A_446 = arith.constant 624 : index
      %get3A_447 = tpu.vector_load %arg6[%get3A_446] {strides = array<i32>} : memref<2048xi32, #tpu.memory_space<vmem>>, vector<16xi32>,
      %get3A_448 = vector.shape_cast %get3A_447 : vector<16xi32> to vector<16xi32>
      %mul3A_449 = arith.constant 2048 : i32
      %mul3A_450 = vector.broadcast %mul3A_449 : i32 to vector<16xi32>
      %mul3A_451 = arith.muli %get3A_448, %mul3A_450 : vector<16xi32>
      %add3A_452 = arith.addi %mul3A_451, %sub3A_445 : vector<16xi32>
      %max3A_453 = arith.maxsi %max3A_365, %add3A_452 : vector<16xi32>
      %sub3A_454 = arith.constant 16 : i32
      %sub3A_455 = vector.broadcast %sub3A_454 : i32 to vector<16xi32>
      %sub3A_456 = arith.subi %sub3A_445, %sub3A_455 : vector<16xi32>
      %get3A_457 = arith.constant 640 : index
      %get3A_458 = tpu.vector_load %arg6[%get3A_457] {strides = array<i32>} : memref<2048xi32, #tpu.memory_space<vmem>>, vector<16xi32>,
      %get3A_459 = vector.shape_cast %get3A_458 : vector<16xi32> to vector<16xi32>
      %mul3A_460 = arith.constant 2048 : i32
      %mul3A_461 = vector.broadcast %mul3A_460 : i32 to vector<16xi32>
      %mul3A_462 = arith.muli %get3A_459, %mul3A_461 : vector<16xi32>
      %add3A_463 = arith.addi %mul3A_462, %sub3A_456 : vector<16xi32>
      %max3A_464 = arith.maxsi %max3A_376, %add3A_463 : vector<16xi32>
      %sub3A_465 = arith.constant 16 : i32
      %sub3A_466 = vector.broadcast %sub3A_465 : i32 to vector<16xi32>
      %sub3A_467 = arith.subi %sub3A_456, %sub3A_466 : vector<16xi32>
      %get3A_468 = arith.constant 656 : index
      %get3A_469 = tpu.vector_load %arg6[%get3A_468] {strides = array<i32>} : memref<2048xi32, #tpu.memory_space<vmem>>, vector<16xi32>,
      %get3A_470 = vector.shape_cast %get3A_469 : vector<16xi32> to vector<16xi32>
      %mul3A_471 = arith.constant 2048 : i32
      %mul3A_472 = vector.broadcast %mul3A_471 : i32 to vector<16xi32>
      %mul3A_473 = arith.muli %get3A_470, %mul3A_472 : vector<16xi32>
      %add3A_474 = arith.addi %mul3A_473, %sub3A_467 : vector<16xi32>
      %max3A_475 = arith.maxsi %max3A_387, %add3A_474 : vector<16xi32>
      %sub3A_476 = arith.constant 16 : i32
      %sub3A_477 = vector.broadcast %sub3A_476 : i32 to vector<16xi32>
      %sub3A_478 = arith.subi %sub3A_467, %sub3A_477 : vector<16xi32>
      %get3A_479 = arith.constant 672 : index
      %get3A_480 = tpu.vector_load %arg6[%get3A_479] {strides = array<i32>} : memref<2048xi32, #tpu.memory_space<vmem>>, vector<16xi32>,
      %get3A_481 = vector.shape_cast %get3A_480 : vector<16xi32> to vector<16xi32>
      %mul3A_482 = arith.constant 2048 : i32
      %mul3A_483 = vector.broadcast %mul3A_482 : i32 to vector<16xi32>
      %mul3A_484 = arith.muli %get3A_481, %mul3A_483 : vector<16xi32>
      %add3A_485 = arith.addi %mul3A_484, %sub3A_478 : vector<16xi32>
      %max3A_486 = arith.maxsi %max3A_398, %add3A_485 : vector<16xi32>
      %sub3A_487 = arith.constant 16 : i32
      %sub3A_488 = vector.broadcast %sub3A_487 : i32 to vector<16xi32>
      %sub3A_489 = arith.subi %sub3A_478, %sub3A_488 : vector<16xi32>
      %get3A_490 = arith.constant 688 : index
      %get3A_491 = tpu.vector_load %arg6[%get3A_490] {strides = array<i32>} : memref<2048xi32, #tpu.memory_space<vmem>>, vector<16xi32>,
      %get3A_492 = vector.shape_cast %get3A_491 : vector<16xi32> to vector<16xi32>
      %mul3A_493 = arith.constant 2048 : i32
      %mul3A_494 = vector.broadcast %mul3A_493 : i32 to vector<16xi32>
      %mul3A_495 = arith.muli %get3A_492, %mul3A_494 : vector<16xi32>
      %add3A_496 = arith.addi %mul3A_495, %sub3A_489 : vector<16xi32>
      %max3A_497 = arith.maxsi %max3A_409, %add3A_496 : vector<16xi32>
      %sub3A_498 = arith.constant 16 : i32
      %sub3A_499 = vector.broadcast %sub3A_498 : i32 to vector<16xi32>
      %sub3A_500 = arith.subi %sub3A_489, %sub3A_499 : vector<16xi32>
      %get3A_501 = arith.constant 704 : index
      %get3A_502 = tpu.vector_load %arg6[%get3A_501] {strides = array<i32>} : memref<2048xi32, #tpu.memory_space<vmem>>, vector<16xi32>,
      %get3A_503 = vector.shape_cast %get3A_502 : vector<16xi32> to vector<16xi32>
      %mul3A_504 = arith.constant 2048 : i32
      %mul3A_505 = vector.broadcast %mul3A_504 : i32 to vector<16xi32>
      %mul3A_506 = arith.muli %get3A_503, %mul3A_505 : vector<16xi32>
      %add3A_507 = arith.addi %mul3A_506, %sub3A_500 : vector<16xi32>
      %max3A_508 = arith.maxsi %max3A_420, %add3A_507 : vector<16xi32>
      %sub3A_509 = arith.constant 16 : i32
      %sub3A_510 = vector.broadcast %sub3A_509 : i32 to vector<16xi32>
      %sub3A_511 = arith.subi %sub3A_500, %sub3A_510 : vector<16xi32>
      %get3A_512 = arith.constant 720 : index
      %get3A_513 = tpu.vector_load %arg6[%get3A_512] {strides = array<i32>} : memref<2048xi32, #tpu.memory_space<vmem>>, vector<16xi32>,
      %get3A_514 = vector.shape_cast %get3A_513 : vector<16xi32> to vector<16xi32>
      %mul3A_515 = arith.constant 2048 : i32
      %mul3A_516 = vector.broadcast %mul3A_515 : i32 to vector<16xi32>
      %mul3A_517 = arith.muli %get3A_514, %mul3A_516 : vector<16xi32>
      %add3A_518 = arith.addi %mul3A_517, %sub3A_511 : vector<16xi32>
      %max3A_519 = arith.maxsi %max3A_431, %add3A_518 : vector<16xi32>
      %sub3A_520 = arith.constant 16 : i32
      %sub3A_521 = vector.broadcast %sub3A_520 : i32 to vector<16xi32>
      %sub3A_522 = arith.subi %sub3A_511, %sub3A_521 : vector<16xi32>
      %get3A_523 = arith.constant 736 : index
      %get3A_524 = tpu.vector_load %arg6[%get3A_523] {strides = array<i32>} : memref<2048xi32, #tpu.memory_space<vmem>>, vector<16xi32>,
      %get3A_525 = vector.shape_cast %get3A_524 : vector<16xi32> to vector<16xi32>
      %mul3A_526 = arith.constant 2048 : i32
      %mul3A_527 = vector.broadcast %mul3A_526 : i32 to vector<16xi32>
      %mul3A_528 = arith.muli %get3A_525, %mul3A_527 : vector<16xi32>
      %add3A_529 = arith.addi %mul3A_528, %sub3A_522 : vector<16xi32>
      %max3A_530 = arith.maxsi %max3A_442, %add3A_529 : vector<16xi32>
      %sub3A_531 = arith.constant 16 : i32
      %sub3A_532 = vector.broadcast %sub3A_531 : i32 to vector<16xi32>
      %sub3A_533 = arith.subi %sub3A_522, %sub3A_532 : vector<16xi32>
      %get3A_534 = arith.constant 752 : index
      %get3A_535 = tpu.vector_load %arg6[%get3A_534] {strides = array<i32>} : memref<2048xi32, #tpu.memory_space<vmem>>, vector<16xi32>,
      %get3A_536 = vector.shape_cast %get3A_535 : vector<16xi32> to vector<16xi32>
      %mul3A_537 = arith.constant 2048 : i32
      %mul3A_538 = vector.broadcast %mul3A_537 : i32 to vector<16xi32>
      %mul3A_539 = arith.muli %get3A_536, %mul3A_538 : vector<16xi32>
      %add3A_540 = arith.addi %mul3A_539, %sub3A_533 : vector<16xi32>
      %max3A_541 = arith.maxsi %max3A_453, %add3A_540 : vector<16xi32>
      %sub3A_542 = arith.constant 16 : i32
      %sub3A_543 = vector.broadcast %sub3A_542 : i32 to vector<16xi32>
      %sub3A_544 = arith.subi %sub3A_533, %sub3A_543 : vector<16xi32>
      %get3A_545 = arith.constant 768 : index
      %get3A_546 = tpu.vector_load %arg6[%get3A_545] {strides = array<i32>} : memref<2048xi32, #tpu.memory_space<vmem>>, vector<16xi32>,
      %get3A_547 = vector.shape_cast %get3A_546 : vector<16xi32> to vector<16xi32>
      %mul3A_548 = arith.constant 2048 : i32
      %mul3A_549 = vector.broadcast %mul3A_548 : i32 to vector<16xi32>
      %mul3A_550 = arith.muli %get3A_547, %mul3A_549 : vector<16xi32>
      %add3A_551 = arith.addi %mul3A_550, %sub3A_544 : vector<16xi32>
      %max3A_552 = arith.maxsi %max3A_464, %add3A_551 : vector<16xi32>
      %sub3A_553 = arith.constant 16 : i32
      %sub3A_554 = vector.broadcast %sub3A_553 : i32 to vector<16xi32>
      %sub3A_555 = arith.subi %sub3A_544, %sub3A_554 : vector<16xi32>
      %get3A_556 = arith.constant 784 : index
      %get3A_557 = tpu.vector_load %arg6[%get3A_556] {strides = array<i32>} : memref<2048xi32, #tpu.memory_space<vmem>>, vector<16xi32>,
      %get3A_558 = vector.shape_cast %get3A_557 : vector<16xi32> to vector<16xi32>
      %mul3A_559 = arith.constant 2048 : i32
      %mul3A_560 = vector.broadcast %mul3A_559 : i32 to vector<16xi32>
      %mul3A_561 = arith.muli %get3A_558, %mul3A_560 : vector<16xi32>
      %add3A_562 = arith.addi %mul3A_561, %sub3A_555 : vector<16xi32>
      %max3A_563 = arith.maxsi %max3A_475, %add3A_562 : vector<16xi32>
      %sub3A_564 = arith.constant 16 : i32
      %sub3A_565 = vector.broadcast %sub3A_564 : i32 to vector<16xi32>
      %sub3A_566 = arith.subi %sub3A_555, %sub3A_565 : vector<16xi32>
      %get3A_567 = arith.constant 800 : index
      %get3A_568 = tpu.vector_load %arg6[%get3A_567] {strides = array<i32>} : memref<2048xi32, #tpu.memory_space<vmem>>, vector<16xi32>,
      %get3A_569 = vector.shape_cast %get3A_568 : vector<16xi32> to vector<16xi32>
      %mul3A_570 = arith.constant 2048 : i32
      %mul3A_571 = vector.broadcast %mul3A_570 : i32 to vector<16xi32>
      %mul3A_572 = arith.muli %get3A_569, %mul3A_571 : vector<16xi32>
      %add3A_573 = arith.addi %mul3A_572, %sub3A_566 : vector<16xi32>
      %max3A_574 = arith.maxsi %max3A_486, %add3A_573 : vector<16xi32>
      %sub3A_575 = arith.constant 16 : i32
      %sub3A_576 = vector.broadcast %sub3A_575 : i32 to vector<16xi32>
      %sub3A_577 = arith.subi %sub3A_566, %sub3A_576 : vector<16xi32>
      %get3A_578 = arith.constant 816 : index
      %get3A_579 = tpu.vector_load %arg6[%get3A_578] {strides = array<i32>} : memref<2048xi32, #tpu.memory_space<vmem>>, vector<16xi32>,
      %get3A_580 = vector.shape_cast %get3A_579 : vector<16xi32> to vector<16xi32>
      %mul3A_581 = arith.constant 2048 : i32
      %mul3A_582 = vector.broadcast %mul3A_581 : i32 to vector<16xi32>
      %mul3A_583 = arith.muli %get3A_580, %mul3A_582 : vector<16xi32>
      %add3A_584 = arith.addi %mul3A_583, %sub3A_577 : vector<16xi32>
      %max3A_585 = arith.maxsi %max3A_497, %add3A_584 : vector<16xi32>
      %sub3A_586 = arith.constant 16 : i32
      %sub3A_587 = vector.broadcast %sub3A_586 : i32 to vector<16xi32>
      %sub3A_588 = arith.subi %sub3A_577, %sub3A_587 : vector<16xi32>
      %get3A_589 = arith.constant 832 : index
      %get3A_590 = tpu.vector_load %arg6[%get3A_589] {strides = array<i32>} : memref<2048xi32, #tpu.memory_space<vmem>>, vector<16xi32>,
      %get3A_591 = vector.shape_cast %get3A_590 : vector<16xi32> to vector<16xi32>
      %mul3A_592 = arith.constant 2048 : i32
      %mul3A_593 = vector.broadcast %mul3A_592 : i32 to vector<16xi32>
      %mul3A_594 = arith.muli %get3A_591, %mul3A_593 : vector<16xi32>
      %add3A_595 = arith.addi %mul3A_594, %sub3A_588 : vector<16xi32>
      %max3A_596 = arith.maxsi %max3A_508, %add3A_595 : vector<16xi32>
      %sub3A_597 = arith.constant 16 : i32
      %sub3A_598 = vector.broadcast %sub3A_597 : i32 to vector<16xi32>
      %sub3A_599 = arith.subi %sub3A_588, %sub3A_598 : vector<16xi32>
      %get3A_600 = arith.constant 848 : index
      %get3A_601 = tpu.vector_load %arg6[%get3A_600] {strides = array<i32>} : memref<2048xi32, #tpu.memory_space<vmem>>, vector<16xi32>,
      %get3A_602 = vector.shape_cast %get3A_601 : vector<16xi32> to vector<16xi32>
      %mul3A_603 = arith.constant 2048 : i32
      %mul3A_604 = vector.broadcast %mul3A_603 : i32 to vector<16xi32>
      %mul3A_605 = arith.muli %get3A_602, %mul3A_604 : vector<16xi32>
      %add3A_606 = arith.addi %mul3A_605, %sub3A_599 : vector<16xi32>
      %max3A_607 = arith.maxsi %max3A_519, %add3A_606 : vector<16xi32>
      %sub3A_608 = arith.constant 16 : i32
      %sub3A_609 = vector.broadcast %sub3A_608 : i32 to vector<16xi32>
      %sub3A_610 = arith.subi %sub3A_599, %sub3A_609 : vector<16xi32>
      %get3A_611 = arith.constant 864 : index
      %get3A_612 = tpu.vector_load %arg6[%get3A_611] {strides = array<i32>} : memref<2048xi32, #tpu.memory_space<vmem>>, vector<16xi32>,
      %get3A_613 = vector.shape_cast %get3A_612 : vector<16xi32> to vector<16xi32>
      %mul3A_614 = arith.constant 2048 : i32
      %mul3A_615 = vector.broadcast %mul3A_614 : i32 to vector<16xi32>
      %mul3A_616 = arith.muli %get3A_613, %mul3A_615 : vector<16xi32>
      %add3A_617 = arith.addi %mul3A_616, %sub3A_610 : vector<16xi32>
      %max3A_618 = arith.maxsi %max3A_530, %add3A_617 : vector<16xi32>
      %sub3A_619 = arith.constant 16 : i32
      %sub3A_620 = vector.broadcast %sub3A_619 : i32 to vector<16xi32>
      %sub3A_621 = arith.subi %sub3A_610, %sub3A_620 : vector<16xi32>
      %get3A_622 = arith.constant 880 : index
      %get3A_623 = tpu.vector_load %arg6[%get3A_622] {strides = array<i32>} : memref<2048xi32, #tpu.memory_space<vmem>>, vector<16xi32>,
      %get3A_624 = vector.shape_cast %get3A_623 : vector<16xi32> to vector<16xi32>
      %mul3A_625 = arith.constant 2048 : i32
      %mul3A_626 = vector.broadcast %mul3A_625 : i32 to vector<16xi32>
      %mul3A_627 = arith.muli %get3A_624, %mul3A_626 : vector<16xi32>
      %add3A_628 = arith.addi %mul3A_627, %sub3A_621 : vector<16xi32>
      %max3A_629 = arith.maxsi %max3A_541, %add3A_628 : vector<16xi32>
      %sub3A_630 = arith.constant 16 : i32
      %sub3A_631 = vector.broadcast %sub3A_630 : i32 to vector<16xi32>
      %sub3A_632 = arith.subi %sub3A_621, %sub3A_631 : vector<16xi32>
      %get3A_633 = arith.constant 896 : index
      %get3A_634 = tpu.vector_load %arg6[%get3A_633] {strides = array<i32>} : memref<2048xi32, #tpu.memory_space<vmem>>, vector<16xi32>,
      %get3A_635 = vector.shape_cast %get3A_634 : vector<16xi32> to vector<16xi32>
      %mul3A_636 = arith.constant 2048 : i32
      %mul3A_637 = vector.broadcast %mul3A_636 : i32 to vector<16xi32>
      %mul3A_638 = arith.muli %get3A_635, %mul3A_637 : vector<16xi32>
      %add3A_639 = arith.addi %mul3A_638, %sub3A_632 : vector<16xi32>
      %max3A_640 = arith.maxsi %max3A_552, %add3A_639 : vector<16xi32>
      %sub3A_641 = arith.constant 16 : i32
      %sub3A_642 = vector.broadcast %sub3A_641 : i32 to vector<16xi32>
      %sub3A_643 = arith.subi %sub3A_632, %sub3A_642 : vector<16xi32>
      %get3A_644 = arith.constant 912 : index
      %get3A_645 = tpu.vector_load %arg6[%get3A_644] {strides = array<i32>} : memref<2048xi32, #tpu.memory_space<vmem>>, vector<16xi32>,
      %get3A_646 = vector.shape_cast %get3A_645 : vector<16xi32> to vector<16xi32>
      %mul3A_647 = arith.constant 2048 : i32
      %mul3A_648 = vector.broadcast %mul3A_647 : i32 to vector<16xi32>
      %mul3A_649 = arith.muli %get3A_646, %mul3A_648 : vector<16xi32>
      %add3A_650 = arith.addi %mul3A_649, %sub3A_643 : vector<16xi32>
      %max3A_651 = arith.maxsi %max3A_563, %add3A_650 : vector<16xi32>
      %sub3A_652 = arith.constant 16 : i32
      %sub3A_653 = vector.broadcast %sub3A_652 : i32 to vector<16xi32>
      %sub3A_654 = arith.subi %sub3A_643, %sub3A_653 : vector<16xi32>
      %get3A_655 = arith.constant 928 : index
      %get3A_656 = tpu.vector_load %arg6[%get3A_655] {strides = array<i32>} : memref<2048xi32, #tpu.memory_space<vmem>>, vector<16xi32>,
      %get3A_657 = vector.shape_cast %get3A_656 : vector<16xi32> to vector<16xi32>
      %mul3A_658 = arith.constant 2048 : i32
      %mul3A_659 = vector.broadcast %mul3A_658 : i32 to vector<16xi32>
      %mul3A_660 = arith.muli %get3A_657, %mul3A_659 : vector<16xi32>
      %add3A_661 = arith.addi %mul3A_660, %sub3A_654 : vector<16xi32>
      %max3A_662 = arith.maxsi %max3A_574, %add3A_661 : vector<16xi32>
      %sub3A_663 = arith.constant 16 : i32
      %sub3A_664 = vector.broadcast %sub3A_663 : i32 to vector<16xi32>
      %sub3A_665 = arith.subi %sub3A_654, %sub3A_664 : vector<16xi32>
      %get3A_666 = arith.constant 944 : index
      %get3A_667 = tpu.vector_load %arg6[%get3A_666] {strides = array<i32>} : memref<2048xi32, #tpu.memory_space<vmem>>, vector<16xi32>,
      %get3A_668 = vector.shape_cast %get3A_667 : vector<16xi32> to vector<16xi32>
      %mul3A_669 = arith.constant 2048 : i32
      %mul3A_670 = vector.broadcast %mul3A_669 : i32 to vector<16xi32>
      %mul3A_671 = arith.muli %get3A_668, %mul3A_670 : vector<16xi32>
      %add3A_672 = arith.addi %mul3A_671, %sub3A_665 : vector<16xi32>
      %max3A_673 = arith.maxsi %max3A_585, %add3A_672 : vector<16xi32>
      %sub3A_674 = arith.constant 16 : i32
      %sub3A_675 = vector.broadcast %sub3A_674 : i32 to vector<16xi32>
      %sub3A_676 = arith.subi %sub3A_665, %sub3A_675 : vector<16xi32>
      %get3A_677 = arith.constant 960 : index
      %get3A_678 = tpu.vector_load %arg6[%get3A_677] {strides = array<i32>} : memref<2048xi32, #tpu.memory_space<vmem>>, vector<16xi32>,
      %get3A_679 = vector.shape_cast %get3A_678 : vector<16xi32> to vector<16xi32>
      %mul3A_680 = arith.constant 2048 : i32
      %mul3A_681 = vector.broadcast %mul3A_680 : i32 to vector<16xi32>
      %mul3A_682 = arith.muli %get3A_679, %mul3A_681 : vector<16xi32>
      %add3A_683 = arith.addi %mul3A_682, %sub3A_676 : vector<16xi32>
      %max3A_684 = arith.maxsi %max3A_596, %add3A_683 : vector<16xi32>
      %sub3A_685 = arith.constant 16 : i32
      %sub3A_686 = vector.broadcast %sub3A_685 : i32 to vector<16xi32>
      %sub3A_687 = arith.subi %sub3A_676, %sub3A_686 : vector<16xi32>
      %get3A_688 = arith.constant 976 : index
      %get3A_689 = tpu.vector_load %arg6[%get3A_688] {strides = array<i32>} : memref<2048xi32, #tpu.memory_space<vmem>>, vector<16xi32>,
      %get3A_690 = vector.shape_cast %get3A_689 : vector<16xi32> to vector<16xi32>
      %mul3A_691 = arith.constant 2048 : i32
      %mul3A_692 = vector.broadcast %mul3A_691 : i32 to vector<16xi32>
      %mul3A_693 = arith.muli %get3A_690, %mul3A_692 : vector<16xi32>
      %add3A_694 = arith.addi %mul3A_693, %sub3A_687 : vector<16xi32>
      %max3A_695 = arith.maxsi %max3A_607, %add3A_694 : vector<16xi32>
      %sub3A_696 = arith.constant 16 : i32
      %sub3A_697 = vector.broadcast %sub3A_696 : i32 to vector<16xi32>
      %sub3A_698 = arith.subi %sub3A_687, %sub3A_697 : vector<16xi32>
      %get3A_699 = arith.constant 992 : index
      %get3A_700 = tpu.vector_load %arg6[%get3A_699] {strides = array<i32>} : memref<2048xi32, #tpu.memory_space<vmem>>, vector<16xi32>,
      %get3A_701 = vector.shape_cast %get3A_700 : vector<16xi32> to vector<16xi32>
      %mul3A_702 = arith.constant 2048 : i32
      %mul3A_703 = vector.broadcast %mul3A_702 : i32 to vector<16xi32>
      %mul3A_704 = arith.muli %get3A_701, %mul3A_703 : vector<16xi32>
      %add3A_705 = arith.addi %mul3A_704, %sub3A_698 : vector<16xi32>
      %max3A_706 = arith.maxsi %max3A_618, %add3A_705 : vector<16xi32>
      %sub3A_707 = arith.constant 16 : i32
      %sub3A_708 = vector.broadcast %sub3A_707 : i32 to vector<16xi32>
      %sub3A_709 = arith.subi %sub3A_698, %sub3A_708 : vector<16xi32>
      %get3A_710 = arith.constant 1008 : index
      %get3A_711 = tpu.vector_load %arg6[%get3A_710] {strides = array<i32>} : memref<2048xi32, #tpu.memory_space<vmem>>, vector<16xi32>,
      %get3A_712 = vector.shape_cast %get3A_711 : vector<16xi32> to vector<16xi32>
      %mul3A_713 = arith.constant 2048 : i32
      %mul3A_714 = vector.broadcast %mul3A_713 : i32 to vector<16xi32>
      %mul3A_715 = arith.muli %get3A_712, %mul3A_714 : vector<16xi32>
      %add3A_716 = arith.addi %mul3A_715, %sub3A_709 : vector<16xi32>
      %max3A_717 = arith.maxsi %max3A_629, %add3A_716 : vector<16xi32>
      %sub3A_718 = arith.constant 16 : i32
      %sub3A_719 = vector.broadcast %sub3A_718 : i32 to vector<16xi32>
      %sub3A_720 = arith.subi %sub3A_709, %sub3A_719 : vector<16xi32>
      %get3A_721 = arith.constant 1024 : index
      %get3A_722 = tpu.vector_load %arg6[%get3A_721] {strides = array<i32>} : memref<2048xi32, #tpu.memory_space<vmem>>, vector<16xi32>,
      %get3A_723 = vector.shape_cast %get3A_722 : vector<16xi32> to vector<16xi32>
      %mul3A_724 = arith.constant 2048 : i32
      %mul3A_725 = vector.broadcast %mul3A_724 : i32 to vector<16xi32>
      %mul3A_726 = arith.muli %get3A_723, %mul3A_725 : vector<16xi32>
      %add3A_727 = arith.addi %mul3A_726, %sub3A_720 : vector<16xi32>
      %max3A_728 = arith.maxsi %max3A_640, %add3A_727 : vector<16xi32>
      %sub3A_729 = arith.constant 16 : i32
      %sub3A_730 = vector.broadcast %sub3A_729 : i32 to vector<16xi32>
      %sub3A_731 = arith.subi %sub3A_720, %sub3A_730 : vector<16xi32>
      %get3A_732 = arith.constant 1040 : index
      %get3A_733 = tpu.vector_load %arg6[%get3A_732] {strides = array<i32>} : memref<2048xi32, #tpu.memory_space<vmem>>, vector<16xi32>,
      %get3A_734 = vector.shape_cast %get3A_733 : vector<16xi32> to vector<16xi32>
      %mul3A_735 = arith.constant 2048 : i32
      %mul3A_736 = vector.broadcast %mul3A_735 : i32 to vector<16xi32>
      %mul3A_737 = arith.muli %get3A_734, %mul3A_736 : vector<16xi32>
      %add3A_738 = arith.addi %mul3A_737, %sub3A_731 : vector<16xi32>
      %max3A_739 = arith.maxsi %max3A_651, %add3A_738 : vector<16xi32>
      %sub3A_740 = arith.constant 16 : i32
      %sub3A_741 = vector.broadcast %sub3A_740 : i32 to vector<16xi32>
      %sub3A_742 = arith.subi %sub3A_731, %sub3A_741 : vector<16xi32>
      %get3A_743 = arith.constant 1056 : index
      %get3A_744 = tpu.vector_load %arg6[%get3A_743] {strides = array<i32>} : memref<2048xi32, #tpu.memory_space<vmem>>, vector<16xi32>,
      %get3A_745 = vector.shape_cast %get3A_744 : vector<16xi32> to vector<16xi32>
      %mul3A_746 = arith.constant 2048 : i32
      %mul3A_747 = vector.broadcast %mul3A_746 : i32 to vector<16xi32>
      %mul3A_748 = arith.muli %get3A_745, %mul3A_747 : vector<16xi32>
      %add3A_749 = arith.addi %mul3A_748, %sub3A_742 : vector<16xi32>
      %max3A_750 = arith.maxsi %max3A_662, %add3A_749 : vector<16xi32>
      %sub3A_751 = arith.constant 16 : i32
      %sub3A_752 = vector.broadcast %sub3A_751 : i32 to vector<16xi32>
      %sub3A_753 = arith.subi %sub3A_742, %sub3A_752 : vector<16xi32>
      %get3A_754 = arith.constant 1072 : index
      %get3A_755 = tpu.vector_load %arg6[%get3A_754] {strides = array<i32>} : memref<2048xi32, #tpu.memory_space<vmem>>, vector<16xi32>,
      %get3A_756 = vector.shape_cast %get3A_755 : vector<16xi32> to vector<16xi32>
      %mul3A_757 = arith.constant 2048 : i32
      %mul3A_758 = vector.broadcast %mul3A_757 : i32 to vector<16xi32>
      %mul3A_759 = arith.muli %get3A_756, %mul3A_758 : vector<16xi32>
      %add3A_760 = arith.addi %mul3A_759, %sub3A_753 : vector<16xi32>
      %max3A_761 = arith.maxsi %max3A_673, %add3A_760 : vector<16xi32>
      %sub3A_762 = arith.constant 16 : i32
      %sub3A_763 = vector.broadcast %sub3A_762 : i32 to vector<16xi32>
      %sub3A_764 = arith.subi %sub3A_753, %sub3A_763 : vector<16xi32>
      %get3A_765 = arith.constant 1088 : index
      %get3A_766 = tpu.vector_load %arg6[%get3A_765] {strides = array<i32>} : memref<2048xi32, #tpu.memory_space<vmem>>, vector<16xi32>,
      %get3A_767 = vector.shape_cast %get3A_766 : vector<16xi32> to vector<16xi32>
      %mul3A_768 = arith.constant 2048 : i32
      %mul3A_769 = vector.broadcast %mul3A_768 : i32 to vector<16xi32>
      %mul3A_770 = arith.muli %get3A_767, %mul3A_769 : vector<16xi32>
      %add3A_771 = arith.addi %mul3A_770, %sub3A_764 : vector<16xi32>
      %max3A_772 = arith.maxsi %max3A_684, %add3A_771 : vector<16xi32>
      %sub3A_773 = arith.constant 16 : i32
      %sub3A_774 = vector.broadcast %sub3A_773 : i32 to vector<16xi32>
      %sub3A_775 = arith.subi %sub3A_764, %sub3A_774 : vector<16xi32>
      %get3A_776 = arith.constant 1104 : index
      %get3A_777 = tpu.vector_load %arg6[%get3A_776] {strides = array<i32>} : memref<2048xi32, #tpu.memory_space<vmem>>, vector<16xi32>,
      %get3A_778 = vector.shape_cast %get3A_777 : vector<16xi32> to vector<16xi32>
      %mul3A_779 = arith.constant 2048 : i32
      %mul3A_780 = vector.broadcast %mul3A_779 : i32 to vector<16xi32>
      %mul3A_781 = arith.muli %get3A_778, %mul3A_780 : vector<16xi32>
      %add3A_782 = arith.addi %mul3A_781, %sub3A_775 : vector<16xi32>
      %max3A_783 = arith.maxsi %max3A_695, %add3A_782 : vector<16xi32>
      %sub3A_784 = arith.constant 16 : i32
      %sub3A_785 = vector.broadcast %sub3A_784 : i32 to vector<16xi32>
      %sub3A_786 = arith.subi %sub3A_775, %sub3A_785 : vector<16xi32>
      %get3A_787 = arith.constant 1120 : index
      %get3A_788 = tpu.vector_load %arg6[%get3A_787] {strides = array<i32>} : memref<2048xi32, #tpu.memory_space<vmem>>, vector<16xi32>,
      %get3A_789 = vector.shape_cast %get3A_788 : vector<16xi32> to vector<16xi32>
      %mul3A_790 = arith.constant 2048 : i32
      %mul3A_791 = vector.broadcast %mul3A_790 : i32 to vector<16xi32>
      %mul3A_792 = arith.muli %get3A_789, %mul3A_791 : vector<16xi32>
      %add3A_793 = arith.addi %mul3A_792, %sub3A_786 : vector<16xi32>
      %max3A_794 = arith.maxsi %max3A_706, %add3A_793 : vector<16xi32>
      %sub3A_795 = arith.constant 16 : i32
      %sub3A_796 = vector.broadcast %sub3A_795 : i32 to vector<16xi32>
      %sub3A_797 = arith.subi %sub3A_786, %sub3A_796 : vector<16xi32>
      %get3A_798 = arith.constant 1136 : index
      %get3A_799 = tpu.vector_load %arg6[%get3A_798] {strides = array<i32>} : memref<2048xi32, #tpu.memory_space<vmem>>, vector<16xi32>,
      %get3A_800 = vector.shape_cast %get3A_799 : vector<16xi32> to vector<16xi32>
      %mul3A_801 = arith.constant 2048 : i32
      %mul3A_802 = vector.broadcast %mul3A_801 : i32 to vector<16xi32>
      %mul3A_803 = arith.muli %get3A_800, %mul3A_802 : vector<16xi32>
      %add3A_804 = arith.addi %mul3A_803, %sub3A_797 : vector<16xi32>
      %max3A_805 = arith.maxsi %max3A_717, %add3A_804 : vector<16xi32>
      %sub3A_806 = arith.constant 16 : i32
      %sub3A_807 = vector.broadcast %sub3A_806 : i32 to vector<16xi32>
      %sub3A_808 = arith.subi %sub3A_797, %sub3A_807 : vector<16xi32>
      %get3A_809 = arith.constant 1152 : index
      %get3A_810 = tpu.vector_load %arg6[%get3A_809] {strides = array<i32>} : memref<2048xi32, #tpu.memory_space<vmem>>, vector<16xi32>,
      %get3A_811 = vector.shape_cast %get3A_810 : vector<16xi32> to vector<16xi32>
      %mul3A_812 = arith.constant 2048 : i32
      %mul3A_813 = vector.broadcast %mul3A_812 : i32 to vector<16xi32>
      %mul3A_814 = arith.muli %get3A_811, %mul3A_813 : vector<16xi32>
      %add3A_815 = arith.addi %mul3A_814, %sub3A_808 : vector<16xi32>
      %max3A_816 = arith.maxsi %max3A_728, %add3A_815 : vector<16xi32>
      %sub3A_817 = arith.constant 16 : i32
      %sub3A_818 = vector.broadcast %sub3A_817 : i32 to vector<16xi32>
      %sub3A_819 = arith.subi %sub3A_808, %sub3A_818 : vector<16xi32>
      %get3A_820 = arith.constant 1168 : index
      %get3A_821 = tpu.vector_load %arg6[%get3A_820] {strides = array<i32>} : memref<2048xi32, #tpu.memory_space<vmem>>, vector<16xi32>,
      %get3A_822 = vector.shape_cast %get3A_821 : vector<16xi32> to vector<16xi32>
      %mul3A_823 = arith.constant 2048 : i32
      %mul3A_824 = vector.broadcast %mul3A_823 : i32 to vector<16xi32>
      %mul3A_825 = arith.muli %get3A_822, %mul3A_824 : vector<16xi32>
      %add3A_826 = arith.addi %mul3A_825, %sub3A_819 : vector<16xi32>
      %max3A_827 = arith.maxsi %max3A_739, %add3A_826 : vector<16xi32>
      %sub3A_828 = arith.constant 16 : i32
      %sub3A_829 = vector.broadcast %sub3A_828 : i32 to vector<16xi32>
      %sub3A_830 = arith.subi %sub3A_819, %sub3A_829 : vector<16xi32>
      %get3A_831 = arith.constant 1184 : index
      %get3A_832 = tpu.vector_load %arg6[%get3A_831] {strides = array<i32>} : memref<2048xi32, #tpu.memory_space<vmem>>, vector<16xi32>,
      %get3A_833 = vector.shape_cast %get3A_832 : vector<16xi32> to vector<16xi32>
      %mul3A_834 = arith.constant 2048 : i32
      %mul3A_835 = vector.broadcast %mul3A_834 : i32 to vector<16xi32>
      %mul3A_836 = arith.muli %get3A_833, %mul3A_835 : vector<16xi32>
      %add3A_837 = arith.addi %mul3A_836, %sub3A_830 : vector<16xi32>
      %max3A_838 = arith.maxsi %max3A_750, %add3A_837 : vector<16xi32>
      %sub3A_839 = arith.constant 16 : i32
      %sub3A_840 = vector.broadcast %sub3A_839 : i32 to vector<16xi32>
      %sub3A_841 = arith.subi %sub3A_830, %sub3A_840 : vector<16xi32>
      %get3A_842 = arith.constant 1200 : index
      %get3A_843 = tpu.vector_load %arg6[%get3A_842] {strides = array<i32>} : memref<2048xi32, #tpu.memory_space<vmem>>, vector<16xi32>,
      %get3A_844 = vector.shape_cast %get3A_843 : vector<16xi32> to vector<16xi32>
      %mul3A_845 = arith.constant 2048 : i32
      %mul3A_846 = vector.broadcast %mul3A_845 : i32 to vector<16xi32>
      %mul3A_847 = arith.muli %get3A_844, %mul3A_846 : vector<16xi32>
      %add3A_848 = arith.addi %mul3A_847, %sub3A_841 : vector<16xi32>
      %max3A_849 = arith.maxsi %max3A_761, %add3A_848 : vector<16xi32>
      %sub3A_850 = arith.constant 16 : i32
      %sub3A_851 = vector.broadcast %sub3A_850 : i32 to vector<16xi32>
      %sub3A_852 = arith.subi %sub3A_841, %sub3A_851 : vector<16xi32>
      %get3A_853 = arith.constant 1216 : index
      %get3A_854 = tpu.vector_load %arg6[%get3A_853] {strides = array<i32>} : memref<2048xi32, #tpu.memory_space<vmem>>, vector<16xi32>,
      %get3A_855 = vector.shape_cast %get3A_854 : vector<16xi32> to vector<16xi32>
      %mul3A_856 = arith.constant 2048 : i32
      %mul3A_857 = vector.broadcast %mul3A_856 : i32 to vector<16xi32>
      %mul3A_858 = arith.muli %get3A_855, %mul3A_857 : vector<16xi32>
      %add3A_859 = arith.addi %mul3A_858, %sub3A_852 : vector<16xi32>
      %max3A_860 = arith.maxsi %max3A_772, %add3A_859 : vector<16xi32>
      %sub3A_861 = arith.constant 16 : i32
      %sub3A_862 = vector.broadcast %sub3A_861 : i32 to vector<16xi32>
      %sub3A_863 = arith.subi %sub3A_852, %sub3A_862 : vector<16xi32>
      %get3A_864 = arith.constant 1232 : index
      %get3A_865 = tpu.vector_load %arg6[%get3A_864] {strides = array<i32>} : memref<2048xi32, #tpu.memory_space<vmem>>, vector<16xi32>,
      %get3A_866 = vector.shape_cast %get3A_865 : vector<16xi32> to vector<16xi32>
      %mul3A_867 = arith.constant 2048 : i32
      %mul3A_868 = vector.broadcast %mul3A_867 : i32 to vector<16xi32>
      %mul3A_869 = arith.muli %get3A_866, %mul3A_868 : vector<16xi32>
      %add3A_870 = arith.addi %mul3A_869, %sub3A_863 : vector<16xi32>
      %max3A_871 = arith.maxsi %max3A_783, %add3A_870 : vector<16xi32>
      %sub3A_872 = arith.constant 16 : i32
      %sub3A_873 = vector.broadcast %sub3A_872 : i32 to vector<16xi32>
      %sub3A_874 = arith.subi %sub3A_863, %sub3A_873 : vector<16xi32>
      %get3A_875 = arith.constant 1248 : index
      %get3A_876 = tpu.vector_load %arg6[%get3A_875] {strides = array<i32>} : memref<2048xi32, #tpu.memory_space<vmem>>, vector<16xi32>,
      %get3A_877 = vector.shape_cast %get3A_876 : vector<16xi32> to vector<16xi32>
      %mul3A_878 = arith.constant 2048 : i32
      %mul3A_879 = vector.broadcast %mul3A_878 : i32 to vector<16xi32>
      %mul3A_880 = arith.muli %get3A_877, %mul3A_879 : vector<16xi32>
      %add3A_881 = arith.addi %mul3A_880, %sub3A_874 : vector<16xi32>
      %max3A_882 = arith.maxsi %max3A_794, %add3A_881 : vector<16xi32>
      %sub3A_883 = arith.constant 16 : i32
      %sub3A_884 = vector.broadcast %sub3A_883 : i32 to vector<16xi32>
      %sub3A_885 = arith.subi %sub3A_874, %sub3A_884 : vector<16xi32>
      %get3A_886 = arith.constant 1264 : index
      %get3A_887 = tpu.vector_load %arg6[%get3A_886] {strides = array<i32>} : memref<2048xi32, #tpu.memory_space<vmem>>, vector<16xi32>,
      %get3A_888 = vector.shape_cast %get3A_887 : vector<16xi32> to vector<16xi32>
      %mul3A_889 = arith.constant 2048 : i32
      %mul3A_890 = vector.broadcast %mul3A_889 : i32 to vector<16xi32>
      %mul3A_891 = arith.muli %get3A_888, %mul3A_890 : vector<16xi32>
      %add3A_892 = arith.addi %mul3A_891, %sub3A_885 : vector<16xi32>
      %max3A_893 = arith.maxsi %max3A_805, %add3A_892 : vector<16xi32>
      %sub3A_894 = arith.constant 16 : i32
      %sub3A_895 = vector.broadcast %sub3A_894 : i32 to vector<16xi32>
      %sub3A_896 = arith.subi %sub3A_885, %sub3A_895 : vector<16xi32>
      %get3A_897 = arith.constant 1280 : index
      %get3A_898 = tpu.vector_load %arg6[%get3A_897] {strides = array<i32>} : memref<2048xi32, #tpu.memory_space<vmem>>, vector<16xi32>,
      %get3A_899 = vector.shape_cast %get3A_898 : vector<16xi32> to vector<16xi32>
      %mul3A_900 = arith.constant 2048 : i32
      %mul3A_901 = vector.broadcast %mul3A_900 : i32 to vector<16xi32>
      %mul3A_902 = arith.muli %get3A_899, %mul3A_901 : vector<16xi32>
      %add3A_903 = arith.addi %mul3A_902, %sub3A_896 : vector<16xi32>
      %max3A_904 = arith.maxsi %max3A_816, %add3A_903 : vector<16xi32>
      %sub3A_905 = arith.constant 16 : i32
      %sub3A_906 = vector.broadcast %sub3A_905 : i32 to vector<16xi32>
      %sub3A_907 = arith.subi %sub3A_896, %sub3A_906 : vector<16xi32>
      %get3A_908 = arith.constant 1296 : index
      %get3A_909 = tpu.vector_load %arg6[%get3A_908] {strides = array<i32>} : memref<2048xi32, #tpu.memory_space<vmem>>, vector<16xi32>,
      %get3A_910 = vector.shape_cast %get3A_909 : vector<16xi32> to vector<16xi32>
      %mul3A_911 = arith.constant 2048 : i32
      %mul3A_912 = vector.broadcast %mul3A_911 : i32 to vector<16xi32>
      %mul3A_913 = arith.muli %get3A_910, %mul3A_912 : vector<16xi32>
      %add3A_914 = arith.addi %mul3A_913, %sub3A_907 : vector<16xi32>
      %max3A_915 = arith.maxsi %max3A_827, %add3A_914 : vector<16xi32>
      %sub3A_916 = arith.constant 16 : i32
      %sub3A_917 = vector.broadcast %sub3A_916 : i32 to vector<16xi32>
      %sub3A_918 = arith.subi %sub3A_907, %sub3A_917 : vector<16xi32>
      %get3A_919 = arith.constant 1312 : index
      %get3A_920 = tpu.vector_load %arg6[%get3A_919] {strides = array<i32>} : memref<2048xi32, #tpu.memory_space<vmem>>, vector<16xi32>,
      %get3A_921 = vector.shape_cast %get3A_920 : vector<16xi32> to vector<16xi32>
      %mul3A_922 = arith.constant 2048 : i32
      %mul3A_923 = vector.broadcast %mul3A_922 : i32 to vector<16xi32>
      %mul3A_924 = arith.muli %get3A_921, %mul3A_923 : vector<16xi32>
      %add3A_925 = arith.addi %mul3A_924, %sub3A_918 : vector<16xi32>
      %max3A_926 = arith.maxsi %max3A_838, %add3A_925 : vector<16xi32>
      %sub3A_927 = arith.constant 16 : i32
      %sub3A_928 = vector.broadcast %sub3A_927 : i32 to vector<16xi32>
      %sub3A_929 = arith.subi %sub3A_918, %sub3A_928 : vector<16xi32>
      %get3A_930 = arith.constant 1328 : index
      %get3A_931 = tpu.vector_load %arg6[%get3A_930] {strides = array<i32>} : memref<2048xi32, #tpu.memory_space<vmem>>, vector<16xi32>,
      %get3A_932 = vector.shape_cast %get3A_931 : vector<16xi32> to vector<16xi32>
      %mul3A_933 = arith.constant 2048 : i32
      %mul3A_934 = vector.broadcast %mul3A_933 : i32 to vector<16xi32>
      %mul3A_935 = arith.muli %get3A_932, %mul3A_934 : vector<16xi32>
      %add3A_936 = arith.addi %mul3A_935, %sub3A_929 : vector<16xi32>
      %max3A_937 = arith.maxsi %max3A_849, %add3A_936 : vector<16xi32>
      %sub3A_938 = arith.constant 16 : i32
      %sub3A_939 = vector.broadcast %sub3A_938 : i32 to vector<16xi32>
      %sub3A_940 = arith.subi %sub3A_929, %sub3A_939 : vector<16xi32>
      %get3A_941 = arith.constant 1344 : index
      %get3A_942 = tpu.vector_load %arg6[%get3A_941] {strides = array<i32>} : memref<2048xi32, #tpu.memory_space<vmem>>, vector<16xi32>,
      %get3A_943 = vector.shape_cast %get3A_942 : vector<16xi32> to vector<16xi32>
      %mul3A_944 = arith.constant 2048 : i32
      %mul3A_945 = vector.broadcast %mul3A_944 : i32 to vector<16xi32>
      %mul3A_946 = arith.muli %get3A_943, %mul3A_945 : vector<16xi32>
      %add3A_947 = arith.addi %mul3A_946, %sub3A_940 : vector<16xi32>
      %max3A_948 = arith.maxsi %max3A_860, %add3A_947 : vector<16xi32>
      %sub3A_949 = arith.constant 16 : i32
      %sub3A_950 = vector.broadcast %sub3A_949 : i32 to vector<16xi32>
      %sub3A_951 = arith.subi %sub3A_940, %sub3A_950 : vector<16xi32>
      %get3A_952 = arith.constant 1360 : index
      %get3A_953 = tpu.vector_load %arg6[%get3A_952] {strides = array<i32>} : memref<2048xi32, #tpu.memory_space<vmem>>, vector<16xi32>,
      %get3A_954 = vector.shape_cast %get3A_953 : vector<16xi32> to vector<16xi32>
      %mul3A_955 = arith.constant 2048 : i32
      %mul3A_956 = vector.broadcast %mul3A_955 : i32 to vector<16xi32>
      %mul3A_957 = arith.muli %get3A_954, %mul3A_956 : vector<16xi32>
      %add3A_958 = arith.addi %mul3A_957, %sub3A_951 : vector<16xi32>
      %max3A_959 = arith.maxsi %max3A_871, %add3A_958 : vector<16xi32>
      %sub3A_960 = arith.constant 16 : i32
      %sub3A_961 = vector.broadcast %sub3A_960 : i32 to vector<16xi32>
      %sub3A_962 = arith.subi %sub3A_951, %sub3A_961 : vector<16xi32>
      %get3A_963 = arith.constant 1376 : index
      %get3A_964 = tpu.vector_load %arg6[%get3A_963] {strides = array<i32>} : memref<2048xi32, #tpu.memory_space<vmem>>, vector<16xi32>,
      %get3A_965 = vector.shape_cast %get3A_964 : vector<16xi32> to vector<16xi32>
      %mul3A_966 = arith.constant 2048 : i32
      %mul3A_967 = vector.broadcast %mul3A_966 : i32 to vector<16xi32>
      %mul3A_968 = arith.muli %get3A_965, %mul3A_967 : vector<16xi32>
      %add3A_969 = arith.addi %mul3A_968, %sub3A_962 : vector<16xi32>
      %max3A_970 = arith.maxsi %max3A_882, %add3A_969 : vector<16xi32>
      %sub3A_971 = arith.constant 16 : i32
      %sub3A_972 = vector.broadcast %sub3A_971 : i32 to vector<16xi32>
      %sub3A_973 = arith.subi %sub3A_962, %sub3A_972 : vector<16xi32>
      %get3A_974 = arith.constant 1392 : index
      %get3A_975 = tpu.vector_load %arg6[%get3A_974] {strides = array<i32>} : memref<2048xi32, #tpu.memory_space<vmem>>, vector<16xi32>,
      %get3A_976 = vector.shape_cast %get3A_975 : vector<16xi32> to vector<16xi32>
      %mul3A_977 = arith.constant 2048 : i32
      %mul3A_978 = vector.broadcast %mul3A_977 : i32 to vector<16xi32>
      %mul3A_979 = arith.muli %get3A_976, %mul3A_978 : vector<16xi32>
      %add3A_980 = arith.addi %mul3A_979, %sub3A_973 : vector<16xi32>
      %max3A_981 = arith.maxsi %max3A_893, %add3A_980 : vector<16xi32>
      %sub3A_982 = arith.constant 16 : i32
      %sub3A_983 = vector.broadcast %sub3A_982 : i32 to vector<16xi32>
      %sub3A_984 = arith.subi %sub3A_973, %sub3A_983 : vector<16xi32>
      %get3A_985 = arith.constant 1408 : index
      %get3A_986 = tpu.vector_load %arg6[%get3A_985] {strides = array<i32>} : memref<2048xi32, #tpu.memory_space<vmem>>, vector<16xi32>,
      %get3A_987 = vector.shape_cast %get3A_986 : vector<16xi32> to vector<16xi32>
      %mul3A_988 = arith.constant 2048 : i32
      %mul3A_989 = vector.broadcast %mul3A_988 : i32 to vector<16xi32>
      %mul3A_990 = arith.muli %get3A_987, %mul3A_989 : vector<16xi32>
      %add3A_991 = arith.addi %mul3A_990, %sub3A_984 : vector<16xi32>
      %max3A_992 = arith.maxsi %max3A_904, %add3A_991 : vector<16xi32>
      %sub3A_993 = arith.constant 16 : i32
      %sub3A_994 = vector.broadcast %sub3A_993 : i32 to vector<16xi32>
      %sub3A_995 = arith.subi %sub3A_984, %sub3A_994 : vector<16xi32>
      %get3A_996 = arith.constant 1424 : index
      %get3A_997 = tpu.vector_load %arg6[%get3A_996] {strides = array<i32>} : memref<2048xi32, #tpu.memory_space<vmem>>, vector<16xi32>,
      %get3A_998 = vector.shape_cast %get3A_997 : vector<16xi32> to vector<16xi32>
      %mul3A_999 = arith.constant 2048 : i32
      %mul3A_1000 = vector.broadcast %mul3A_999 : i32 to vector<16xi32>
      %mul3A_1001 = arith.muli %get3A_998, %mul3A_1000 : vector<16xi32>
      %add3A_1002 = arith.addi %mul3A_1001, %sub3A_995 : vector<16xi32>
      %max3A_1003 = arith.maxsi %max3A_915, %add3A_1002 : vector<16xi32>
      %sub3A_1004 = arith.constant 16 : i32
      %sub3A_1005 = vector.broadcast %sub3A_1004 : i32 to vector<16xi32>
      %sub3A_1006 = arith.subi %sub3A_995, %sub3A_1005 : vector<16xi32>
      %get3A_1007 = arith.constant 1440 : index
      %get3A_1008 = tpu.vector_load %arg6[%get3A_1007] {strides = array<i32>} : memref<2048xi32, #tpu.memory_space<vmem>>, vector<16xi32>,
      %get3A_1009 = vector.shape_cast %get3A_1008 : vector<16xi32> to vector<16xi32>
      %mul3A_1010 = arith.constant 2048 : i32
      %mul3A_1011 = vector.broadcast %mul3A_1010 : i32 to vector<16xi32>
      %mul3A_1012 = arith.muli %get3A_1009, %mul3A_1011 : vector<16xi32>
      %add3A_1013 = arith.addi %mul3A_1012, %sub3A_1006 : vector<16xi32>
      %max3A_1014 = arith.maxsi %max3A_926, %add3A_1013 : vector<16xi32>
      %sub3A_1015 = arith.constant 16 : i32
      %sub3A_1016 = vector.broadcast %sub3A_1015 : i32 to vector<16xi32>
      %sub3A_1017 = arith.subi %sub3A_1006, %sub3A_1016 : vector<16xi32>
      %get3A_1018 = arith.constant 1456 : index
      %get3A_1019 = tpu.vector_load %arg6[%get3A_1018] {strides = array<i32>} : memref<2048xi32, #tpu.memory_space<vmem>>, vector<16xi32>,
      %get3A_1020 = vector.shape_cast %get3A_1019 : vector<16xi32> to vector<16xi32>
      %mul3A_1021 = arith.constant 2048 : i32
      %mul3A_1022 = vector.broadcast %mul3A_1021 : i32 to vector<16xi32>
      %mul3A_1023 = arith.muli %get3A_1020, %mul3A_1022 : vector<16xi32>
      %add3A_1024 = arith.addi %mul3A_1023, %sub3A_1017 : vector<16xi32>
      %max3A_1025 = arith.maxsi %max3A_937, %add3A_1024 : vector<16xi32>
      %sub3A_1026 = arith.constant 16 : i32
      %sub3A_1027 = vector.broadcast %sub3A_1026 : i32 to vector<16xi32>
      %sub3A_1028 = arith.subi %sub3A_1017, %sub3A_1027 : vector<16xi32>
      %get3A_1029 = arith.constant 1472 : index
      %get3A_1030 = tpu.vector_load %arg6[%get3A_1029] {strides = array<i32>} : memref<2048xi32, #tpu.memory_space<vmem>>, vector<16xi32>,
      %get3A_1031 = vector.shape_cast %get3A_1030 : vector<16xi32> to vector<16xi32>
      %mul3A_1032 = arith.constant 2048 : i32
      %mul3A_1033 = vector.broadcast %mul3A_1032 : i32 to vector<16xi32>
      %mul3A_1034 = arith.muli %get3A_1031, %mul3A_1033 : vector<16xi32>
      %add3A_1035 = arith.addi %mul3A_1034, %sub3A_1028 : vector<16xi32>
      %max3A_1036 = arith.maxsi %max3A_948, %add3A_1035 : vector<16xi32>
      %sub3A_1037 = arith.constant 16 : i32
      %sub3A_1038 = vector.broadcast %sub3A_1037 : i32 to vector<16xi32>
      %sub3A_1039 = arith.subi %sub3A_1028, %sub3A_1038 : vector<16xi32>
      %get3A_1040 = arith.constant 1488 : index
      %get3A_1041 = tpu.vector_load %arg6[%get3A_1040] {strides = array<i32>} : memref<2048xi32, #tpu.memory_space<vmem>>, vector<16xi32>,
      %get3A_1042 = vector.shape_cast %get3A_1041 : vector<16xi32> to vector<16xi32>
      %mul3A_1043 = arith.constant 2048 : i32
      %mul3A_1044 = vector.broadcast %mul3A_1043 : i32 to vector<16xi32>
      %mul3A_1045 = arith.muli %get3A_1042, %mul3A_1044 : vector<16xi32>
      %add3A_1046 = arith.addi %mul3A_1045, %sub3A_1039 : vector<16xi32>
      %max3A_1047 = arith.maxsi %max3A_959, %add3A_1046 : vector<16xi32>
      %sub3A_1048 = arith.constant 16 : i32
      %sub3A_1049 = vector.broadcast %sub3A_1048 : i32 to vector<16xi32>
      %sub3A_1050 = arith.subi %sub3A_1039, %sub3A_1049 : vector<16xi32>
      %get3A_1051 = arith.constant 1504 : index
      %get3A_1052 = tpu.vector_load %arg6[%get3A_1051] {strides = array<i32>} : memref<2048xi32, #tpu.memory_space<vmem>>, vector<16xi32>,
      %get3A_1053 = vector.shape_cast %get3A_1052 : vector<16xi32> to vector<16xi32>
      %mul3A_1054 = arith.constant 2048 : i32
      %mul3A_1055 = vector.broadcast %mul3A_1054 : i32 to vector<16xi32>
      %mul3A_1056 = arith.muli %get3A_1053, %mul3A_1055 : vector<16xi32>
      %add3A_1057 = arith.addi %mul3A_1056, %sub3A_1050 : vector<16xi32>
      %max3A_1058 = arith.maxsi %max3A_970, %add3A_1057 : vector<16xi32>
      %sub3A_1059 = arith.constant 16 : i32
      %sub3A_1060 = vector.broadcast %sub3A_1059 : i32 to vector<16xi32>
      %sub3A_1061 = arith.subi %sub3A_1050, %sub3A_1060 : vector<16xi32>
      %get3A_1062 = arith.constant 1520 : index
      %get3A_1063 = tpu.vector_load %arg6[%get3A_1062] {strides = array<i32>} : memref<2048xi32, #tpu.memory_space<vmem>>, vector<16xi32>,
      %get3A_1064 = vector.shape_cast %get3A_1063 : vector<16xi32> to vector<16xi32>
      %mul3A_1065 = arith.constant 2048 : i32
      %mul3A_1066 = vector.broadcast %mul3A_1065 : i32 to vector<16xi32>
      %mul3A_1067 = arith.muli %get3A_1064, %mul3A_1066 : vector<16xi32>
      %add3A_1068 = arith.addi %mul3A_1067, %sub3A_1061 : vector<16xi32>
      %max3A_1069 = arith.maxsi %max3A_981, %add3A_1068 : vector<16xi32>
      %sub3A_1070 = arith.constant 16 : i32
      %sub3A_1071 = vector.broadcast %sub3A_1070 : i32 to vector<16xi32>
      %sub3A_1072 = arith.subi %sub3A_1061, %sub3A_1071 : vector<16xi32>
      %get3A_1073 = arith.constant 1536 : index
      %get3A_1074 = tpu.vector_load %arg6[%get3A_1073] {strides = array<i32>} : memref<2048xi32, #tpu.memory_space<vmem>>, vector<16xi32>,
      %get3A_1075 = vector.shape_cast %get3A_1074 : vector<16xi32> to vector<16xi32>
      %mul3A_1076 = arith.constant 2048 : i32
      %mul3A_1077 = vector.broadcast %mul3A_1076 : i32 to vector<16xi32>
      %mul3A_1078 = arith.muli %get3A_1075, %mul3A_1077 : vector<16xi32>
      %add3A_1079 = arith.addi %mul3A_1078, %sub3A_1072 : vector<16xi32>
      %max3A_1080 = arith.maxsi %max3A_992, %add3A_1079 : vector<16xi32>
      %sub3A_1081 = arith.constant 16 : i32
      %sub3A_1082 = vector.broadcast %sub3A_1081 : i32 to vector<16xi32>
      %sub3A_1083 = arith.subi %sub3A_1072, %sub3A_1082 : vector<16xi32>
      %get3A_1084 = arith.constant 1552 : index
      %get3A_1085 = tpu.vector_load %arg6[%get3A_1084] {strides = array<i32>} : memref<2048xi32, #tpu.memory_space<vmem>>, vector<16xi32>,
      %get3A_1086 = vector.shape_cast %get3A_1085 : vector<16xi32> to vector<16xi32>
      %mul3A_1087 = arith.constant 2048 : i32
      %mul3A_1088 = vector.broadcast %mul3A_1087 : i32 to vector<16xi32>
      %mul3A_1089 = arith.muli %get3A_1086, %mul3A_1088 : vector<16xi32>
      %add3A_1090 = arith.addi %mul3A_1089, %sub3A_1083 : vector<16xi32>
      %max3A_1091 = arith.maxsi %max3A_1003, %add3A_1090 : vector<16xi32>
      %sub3A_1092 = arith.constant 16 : i32
      %sub3A_1093 = vector.broadcast %sub3A_1092 : i32 to vector<16xi32>
      %sub3A_1094 = arith.subi %sub3A_1083, %sub3A_1093 : vector<16xi32>
      %get3A_1095 = arith.constant 1568 : index
      %get3A_1096 = tpu.vector_load %arg6[%get3A_1095] {strides = array<i32>} : memref<2048xi32, #tpu.memory_space<vmem>>, vector<16xi32>,
      %get3A_1097 = vector.shape_cast %get3A_1096 : vector<16xi32> to vector<16xi32>
      %mul3A_1098 = arith.constant 2048 : i32
      %mul3A_1099 = vector.broadcast %mul3A_1098 : i32 to vector<16xi32>
      %mul3A_1100 = arith.muli %get3A_1097, %mul3A_1099 : vector<16xi32>
      %add3A_1101 = arith.addi %mul3A_1100, %sub3A_1094 : vector<16xi32>
      %max3A_1102 = arith.maxsi %max3A_1014, %add3A_1101 : vector<16xi32>
      %sub3A_1103 = arith.constant 16 : i32
      %sub3A_1104 = vector.broadcast %sub3A_1103 : i32 to vector<16xi32>
      %sub3A_1105 = arith.subi %sub3A_1094, %sub3A_1104 : vector<16xi32>
      %get3A_1106 = arith.constant 1584 : index
      %get3A_1107 = tpu.vector_load %arg6[%get3A_1106] {strides = array<i32>} : memref<2048xi32, #tpu.memory_space<vmem>>, vector<16xi32>,
      %get3A_1108 = vector.shape_cast %get3A_1107 : vector<16xi32> to vector<16xi32>
      %mul3A_1109 = arith.constant 2048 : i32
      %mul3A_1110 = vector.broadcast %mul3A_1109 : i32 to vector<16xi32>
      %mul3A_1111 = arith.muli %get3A_1108, %mul3A_1110 : vector<16xi32>
      %add3A_1112 = arith.addi %mul3A_1111, %sub3A_1105 : vector<16xi32>
      %max3A_1113 = arith.maxsi %max3A_1025, %add3A_1112 : vector<16xi32>
      %sub3A_1114 = arith.constant 16 : i32
      %sub3A_1115 = vector.broadcast %sub3A_1114 : i32 to vector<16xi32>
      %sub3A_1116 = arith.subi %sub3A_1105, %sub3A_1115 : vector<16xi32>
      %get3A_1117 = arith.constant 1600 : index
      %get3A_1118 = tpu.vector_load %arg6[%get3A_1117] {strides = array<i32>} : memref<2048xi32, #tpu.memory_space<vmem>>, vector<16xi32>,
      %get3A_1119 = vector.shape_cast %get3A_1118 : vector<16xi32> to vector<16xi32>
      %mul3A_1120 = arith.constant 2048 : i32
      %mul3A_1121 = vector.broadcast %mul3A_1120 : i32 to vector<16xi32>
      %mul3A_1122 = arith.muli %get3A_1119, %mul3A_1121 : vector<16xi32>
      %add3A_1123 = arith.addi %mul3A_1122, %sub3A_1116 : vector<16xi32>
      %max3A_1124 = arith.maxsi %max3A_1036, %add3A_1123 : vector<16xi32>
      %sub3A_1125 = arith.constant 16 : i32
      %sub3A_1126 = vector.broadcast %sub3A_1125 : i32 to vector<16xi32>
      %sub3A_1127 = arith.subi %sub3A_1116, %sub3A_1126 : vector<16xi32>
      %get3A_1128 = arith.constant 1616 : index
      %get3A_1129 = tpu.vector_load %arg6[%get3A_1128] {strides = array<i32>} : memref<2048xi32, #tpu.memory_space<vmem>>, vector<16xi32>,
      %get3A_1130 = vector.shape_cast %get3A_1129 : vector<16xi32> to vector<16xi32>
      %mul3A_1131 = arith.constant 2048 : i32
      %mul3A_1132 = vector.broadcast %mul3A_1131 : i32 to vector<16xi32>
      %mul3A_1133 = arith.muli %get3A_1130, %mul3A_1132 : vector<16xi32>
      %add3A_1134 = arith.addi %mul3A_1133, %sub3A_1127 : vector<16xi32>
      %max3A_1135 = arith.maxsi %max3A_1047, %add3A_1134 : vector<16xi32>
      %sub3A_1136 = arith.constant 16 : i32
      %sub3A_1137 = vector.broadcast %sub3A_1136 : i32 to vector<16xi32>
      %sub3A_1138 = arith.subi %sub3A_1127, %sub3A_1137 : vector<16xi32>
      %get3A_1139 = arith.constant 1632 : index
      %get3A_1140 = tpu.vector_load %arg6[%get3A_1139] {strides = array<i32>} : memref<2048xi32, #tpu.memory_space<vmem>>, vector<16xi32>,
      %get3A_1141 = vector.shape_cast %get3A_1140 : vector<16xi32> to vector<16xi32>
      %mul3A_1142 = arith.constant 2048 : i32
      %mul3A_1143 = vector.broadcast %mul3A_1142 : i32 to vector<16xi32>
      %mul3A_1144 = arith.muli %get3A_1141, %mul3A_1143 : vector<16xi32>
      %add3A_1145 = arith.addi %mul3A_1144, %sub3A_1138 : vector<16xi32>
      %max3A_1146 = arith.maxsi %max3A_1058, %add3A_1145 : vector<16xi32>
      %sub3A_1147 = arith.constant 16 : i32
      %sub3A_1148 = vector.broadcast %sub3A_1147 : i32 to vector<16xi32>
      %sub3A_1149 = arith.subi %sub3A_1138, %sub3A_1148 : vector<16xi32>
      %get3A_1150 = arith.constant 1648 : index
      %get3A_1151 = tpu.vector_load %arg6[%get3A_1150] {strides = array<i32>} : memref<2048xi32, #tpu.memory_space<vmem>>, vector<16xi32>,
      %get3A_1152 = vector.shape_cast %get3A_1151 : vector<16xi32> to vector<16xi32>
      %mul3A_1153 = arith.constant 2048 : i32
      %mul3A_1154 = vector.broadcast %mul3A_1153 : i32 to vector<16xi32>
      %mul3A_1155 = arith.muli %get3A_1152, %mul3A_1154 : vector<16xi32>
      %add3A_1156 = arith.addi %mul3A_1155, %sub3A_1149 : vector<16xi32>
      %max3A_1157 = arith.maxsi %max3A_1069, %add3A_1156 : vector<16xi32>
      %sub3A_1158 = arith.constant 16 : i32
      %sub3A_1159 = vector.broadcast %sub3A_1158 : i32 to vector<16xi32>
      %sub3A_1160 = arith.subi %sub3A_1149, %sub3A_1159 : vector<16xi32>
      %get3A_1161 = arith.constant 1664 : index
      %get3A_1162 = tpu.vector_load %arg6[%get3A_1161] {strides = array<i32>} : memref<2048xi32, #tpu.memory_space<vmem>>, vector<16xi32>,
      %get3A_1163 = vector.shape_cast %get3A_1162 : vector<16xi32> to vector<16xi32>
      %mul3A_1164 = arith.constant 2048 : i32
      %mul3A_1165 = vector.broadcast %mul3A_1164 : i32 to vector<16xi32>
      %mul3A_1166 = arith.muli %get3A_1163, %mul3A_1165 : vector<16xi32>
      %add3A_1167 = arith.addi %mul3A_1166, %sub3A_1160 : vector<16xi32>
      %max3A_1168 = arith.maxsi %max3A_1080, %add3A_1167 : vector<16xi32>
      %sub3A_1169 = arith.constant 16 : i32
      %sub3A_1170 = vector.broadcast %sub3A_1169 : i32 to vector<16xi32>
      %sub3A_1171 = arith.subi %sub3A_1160, %sub3A_1170 : vector<16xi32>
      %get3A_1172 = arith.constant 1680 : index
      %get3A_1173 = tpu.vector_load %arg6[%get3A_1172] {strides = array<i32>} : memref<2048xi32, #tpu.memory_space<vmem>>, vector<16xi32>,
      %get3A_1174 = vector.shape_cast %get3A_1173 : vector<16xi32> to vector<16xi32>
      %mul3A_1175 = arith.constant 2048 : i32
      %mul3A_1176 = vector.broadcast %mul3A_1175 : i32 to vector<16xi32>
      %mul3A_1177 = arith.muli %get3A_1174, %mul3A_1176 : vector<16xi32>
      %add3A_1178 = arith.addi %mul3A_1177, %sub3A_1171 : vector<16xi32>
      %max3A_1179 = arith.maxsi %max3A_1091, %add3A_1178 : vector<16xi32>
      %sub3A_1180 = arith.constant 16 : i32
      %sub3A_1181 = vector.broadcast %sub3A_1180 : i32 to vector<16xi32>
      %sub3A_1182 = arith.subi %sub3A_1171, %sub3A_1181 : vector<16xi32>
      %get3A_1183 = arith.constant 1696 : index
      %get3A_1184 = tpu.vector_load %arg6[%get3A_1183] {strides = array<i32>} : memref<2048xi32, #tpu.memory_space<vmem>>, vector<16xi32>,
      %get3A_1185 = vector.shape_cast %get3A_1184 : vector<16xi32> to vector<16xi32>
      %mul3A_1186 = arith.constant 2048 : i32
      %mul3A_1187 = vector.broadcast %mul3A_1186 : i32 to vector<16xi32>
      %mul3A_1188 = arith.muli %get3A_1185, %mul3A_1187 : vector<16xi32>
      %add3A_1189 = arith.addi %mul3A_1188, %sub3A_1182 : vector<16xi32>
      %max3A_1190 = arith.maxsi %max3A_1102, %add3A_1189 : vector<16xi32>
      %sub3A_1191 = arith.constant 16 : i32
      %sub3A_1192 = vector.broadcast %sub3A_1191 : i32 to vector<16xi32>
      %sub3A_1193 = arith.subi %sub3A_1182, %sub3A_1192 : vector<16xi32>
      %get3A_1194 = arith.constant 1712 : index
      %get3A_1195 = tpu.vector_load %arg6[%get3A_1194] {strides = array<i32>} : memref<2048xi32, #tpu.memory_space<vmem>>, vector<16xi32>,
      %get3A_1196 = vector.shape_cast %get3A_1195 : vector<16xi32> to vector<16xi32>
      %mul3A_1197 = arith.constant 2048 : i32
      %mul3A_1198 = vector.broadcast %mul3A_1197 : i32 to vector<16xi32>
      %mul3A_1199 = arith.muli %get3A_1196, %mul3A_1198 : vector<16xi32>
      %add3A_1200 = arith.addi %mul3A_1199, %sub3A_1193 : vector<16xi32>
      %max3A_1201 = arith.maxsi %max3A_1113, %add3A_1200 : vector<16xi32>
      %sub3A_1202 = arith.constant 16 : i32
      %sub3A_1203 = vector.broadcast %sub3A_1202 : i32 to vector<16xi32>
      %sub3A_1204 = arith.subi %sub3A_1193, %sub3A_1203 : vector<16xi32>
      %get3A_1205 = arith.constant 1728 : index
      %get3A_1206 = tpu.vector_load %arg6[%get3A_1205] {strides = array<i32>} : memref<2048xi32, #tpu.memory_space<vmem>>, vector<16xi32>,
      %get3A_1207 = vector.shape_cast %get3A_1206 : vector<16xi32> to vector<16xi32>
      %mul3A_1208 = arith.constant 2048 : i32
      %mul3A_1209 = vector.broadcast %mul3A_1208 : i32 to vector<16xi32>
      %mul3A_1210 = arith.muli %get3A_1207, %mul3A_1209 : vector<16xi32>
      %add3A_1211 = arith.addi %mul3A_1210, %sub3A_1204 : vector<16xi32>
      %max3A_1212 = arith.maxsi %max3A_1124, %add3A_1211 : vector<16xi32>
      %sub3A_1213 = arith.constant 16 : i32
      %sub3A_1214 = vector.broadcast %sub3A_1213 : i32 to vector<16xi32>
      %sub3A_1215 = arith.subi %sub3A_1204, %sub3A_1214 : vector<16xi32>
      %get3A_1216 = arith.constant 1744 : index
      %get3A_1217 = tpu.vector_load %arg6[%get3A_1216] {strides = array<i32>} : memref<2048xi32, #tpu.memory_space<vmem>>, vector<16xi32>,
      %get3A_1218 = vector.shape_cast %get3A_1217 : vector<16xi32> to vector<16xi32>
      %mul3A_1219 = arith.constant 2048 : i32
      %mul3A_1220 = vector.broadcast %mul3A_1219 : i32 to vector<16xi32>
      %mul3A_1221 = arith.muli %get3A_1218, %mul3A_1220 : vector<16xi32>
      %add3A_1222 = arith.addi %mul3A_1221, %sub3A_1215 : vector<16xi32>
      %max3A_1223 = arith.maxsi %max3A_1135, %add3A_1222 : vector<16xi32>
      %sub3A_1224 = arith.constant 16 : i32
      %sub3A_1225 = vector.broadcast %sub3A_1224 : i32 to vector<16xi32>
      %sub3A_1226 = arith.subi %sub3A_1215, %sub3A_1225 : vector<16xi32>
      %get3A_1227 = arith.constant 1760 : index
      %get3A_1228 = tpu.vector_load %arg6[%get3A_1227] {strides = array<i32>} : memref<2048xi32, #tpu.memory_space<vmem>>, vector<16xi32>,
      %get3A_1229 = vector.shape_cast %get3A_1228 : vector<16xi32> to vector<16xi32>
      %mul3A_1230 = arith.constant 2048 : i32
      %mul3A_1231 = vector.broadcast %mul3A_1230 : i32 to vector<16xi32>
      %mul3A_1232 = arith.muli %get3A_1229, %mul3A_1231 : vector<16xi32>
      %add3A_1233 = arith.addi %mul3A_1232, %sub3A_1226 : vector<16xi32>
      %max3A_1234 = arith.maxsi %max3A_1146, %add3A_1233 : vector<16xi32>
      %sub3A_1235 = arith.constant 16 : i32
      %sub3A_1236 = vector.broadcast %sub3A_1235 : i32 to vector<16xi32>
      %sub3A_1237 = arith.subi %sub3A_1226, %sub3A_1236 : vector<16xi32>
      %get3A_1238 = arith.constant 1776 : index
      %get3A_1239 = tpu.vector_load %arg6[%get3A_1238] {strides = array<i32>} : memref<2048xi32, #tpu.memory_space<vmem>>, vector<16xi32>,
      %get3A_1240 = vector.shape_cast %get3A_1239 : vector<16xi32> to vector<16xi32>
      %mul3A_1241 = arith.constant 2048 : i32
      %mul3A_1242 = vector.broadcast %mul3A_1241 : i32 to vector<16xi32>
      %mul3A_1243 = arith.muli %get3A_1240, %mul3A_1242 : vector<16xi32>
      %add3A_1244 = arith.addi %mul3A_1243, %sub3A_1237 : vector<16xi32>
      %max3A_1245 = arith.maxsi %max3A_1157, %add3A_1244 : vector<16xi32>
      %sub3A_1246 = arith.constant 16 : i32
      %sub3A_1247 = vector.broadcast %sub3A_1246 : i32 to vector<16xi32>
      %sub3A_1248 = arith.subi %sub3A_1237, %sub3A_1247 : vector<16xi32>
      %get3A_1249 = arith.constant 1792 : index
      %get3A_1250 = tpu.vector_load %arg6[%get3A_1249] {strides = array<i32>} : memref<2048xi32, #tpu.memory_space<vmem>>, vector<16xi32>,
      %get3A_1251 = vector.shape_cast %get3A_1250 : vector<16xi32> to vector<16xi32>
      %mul3A_1252 = arith.constant 2048 : i32
      %mul3A_1253 = vector.broadcast %mul3A_1252 : i32 to vector<16xi32>
      %mul3A_1254 = arith.muli %get3A_1251, %mul3A_1253 : vector<16xi32>
      %add3A_1255 = arith.addi %mul3A_1254, %sub3A_1248 : vector<16xi32>
      %max3A_1256 = arith.maxsi %max3A_1168, %add3A_1255 : vector<16xi32>
      %sub3A_1257 = arith.constant 16 : i32
      %sub3A_1258 = vector.broadcast %sub3A_1257 : i32 to vector<16xi32>
      %sub3A_1259 = arith.subi %sub3A_1248, %sub3A_1258 : vector<16xi32>
      %get3A_1260 = arith.constant 1808 : index
      %get3A_1261 = tpu.vector_load %arg6[%get3A_1260] {strides = array<i32>} : memref<2048xi32, #tpu.memory_space<vmem>>, vector<16xi32>,
      %get3A_1262 = vector.shape_cast %get3A_1261 : vector<16xi32> to vector<16xi32>
      %mul3A_1263 = arith.constant 2048 : i32
      %mul3A_1264 = vector.broadcast %mul3A_1263 : i32 to vector<16xi32>
      %mul3A_1265 = arith.muli %get3A_1262, %mul3A_1264 : vector<16xi32>
      %add3A_1266 = arith.addi %mul3A_1265, %sub3A_1259 : vector<16xi32>
      %max3A_1267 = arith.maxsi %max3A_1179, %add3A_1266 : vector<16xi32>
      %sub3A_1268 = arith.constant 16 : i32
      %sub3A_1269 = vector.broadcast %sub3A_1268 : i32 to vector<16xi32>
      %sub3A_1270 = arith.subi %sub3A_1259, %sub3A_1269 : vector<16xi32>
      %get3A_1271 = arith.constant 1824 : index
      %get3A_1272 = tpu.vector_load %arg6[%get3A_1271] {strides = array<i32>} : memref<2048xi32, #tpu.memory_space<vmem>>, vector<16xi32>,
      %get3A_1273 = vector.shape_cast %get3A_1272 : vector<16xi32> to vector<16xi32>
      %mul3A_1274 = arith.constant 2048 : i32
      %mul3A_1275 = vector.broadcast %mul3A_1274 : i32 to vector<16xi32>
      %mul3A_1276 = arith.muli %get3A_1273, %mul3A_1275 : vector<16xi32>
      %add3A_1277 = arith.addi %mul3A_1276, %sub3A_1270 : vector<16xi32>
      %max3A_1278 = arith.maxsi %max3A_1190, %add3A_1277 : vector<16xi32>
      %sub3A_1279 = arith.constant 16 : i32
      %sub3A_1280 = vector.broadcast %sub3A_1279 : i32 to vector<16xi32>
      %sub3A_1281 = arith.subi %sub3A_1270, %sub3A_1280 : vector<16xi32>
      %get3A_1282 = arith.constant 1840 : index
      %get3A_1283 = tpu.vector_load %arg6[%get3A_1282] {strides = array<i32>} : memref<2048xi32, #tpu.memory_space<vmem>>, vector<16xi32>,
      %get3A_1284 = vector.shape_cast %get3A_1283 : vector<16xi32> to vector<16xi32>
      %mul3A_1285 = arith.constant 2048 : i32
      %mul3A_1286 = vector.broadcast %mul3A_1285 : i32 to vector<16xi32>
      %mul3A_1287 = arith.muli %get3A_1284, %mul3A_1286 : vector<16xi32>
      %add3A_1288 = arith.addi %mul3A_1287, %sub3A_1281 : vector<16xi32>
      %max3A_1289 = arith.maxsi %max3A_1201, %add3A_1288 : vector<16xi32>
      %sub3A_1290 = arith.constant 16 : i32
      %sub3A_1291 = vector.broadcast %sub3A_1290 : i32 to vector<16xi32>
      %sub3A_1292 = arith.subi %sub3A_1281, %sub3A_1291 : vector<16xi32>
      %get3A_1293 = arith.constant 1856 : index
      %get3A_1294 = tpu.vector_load %arg6[%get3A_1293] {strides = array<i32>} : memref<2048xi32, #tpu.memory_space<vmem>>, vector<16xi32>,
      %get3A_1295 = vector.shape_cast %get3A_1294 : vector<16xi32> to vector<16xi32>
      %mul3A_1296 = arith.constant 2048 : i32
      %mul3A_1297 = vector.broadcast %mul3A_1296 : i32 to vector<16xi32>
      %mul3A_1298 = arith.muli %get3A_1295, %mul3A_1297 : vector<16xi32>
      %add3A_1299 = arith.addi %mul3A_1298, %sub3A_1292 : vector<16xi32>
      %max3A_1300 = arith.maxsi %max3A_1212, %add3A_1299 : vector<16xi32>
      %sub3A_1301 = arith.constant 16 : i32
      %sub3A_1302 = vector.broadcast %sub3A_1301 : i32 to vector<16xi32>
      %sub3A_1303 = arith.subi %sub3A_1292, %sub3A_1302 : vector<16xi32>
      %get3A_1304 = arith.constant 1872 : index
      %get3A_1305 = tpu.vector_load %arg6[%get3A_1304] {strides = array<i32>} : memref<2048xi32, #tpu.memory_space<vmem>>, vector<16xi32>,
      %get3A_1306 = vector.shape_cast %get3A_1305 : vector<16xi32> to vector<16xi32>
      %mul3A_1307 = arith.constant 2048 : i32
      %mul3A_1308 = vector.broadcast %mul3A_1307 : i32 to vector<16xi32>
      %mul3A_1309 = arith.muli %get3A_1306, %mul3A_1308 : vector<16xi32>
      %add3A_1310 = arith.addi %mul3A_1309, %sub3A_1303 : vector<16xi32>
      %max3A_1311 = arith.maxsi %max3A_1223, %add3A_1310 : vector<16xi32>
      %sub3A_1312 = arith.constant 16 : i32
      %sub3A_1313 = vector.broadcast %sub3A_1312 : i32 to vector<16xi32>
      %sub3A_1314 = arith.subi %sub3A_1303, %sub3A_1313 : vector<16xi32>
      %get3A_1315 = arith.constant 1888 : index
      %get3A_1316 = tpu.vector_load %arg6[%get3A_1315] {strides = array<i32>} : memref<2048xi32, #tpu.memory_space<vmem>>, vector<16xi32>,
      %get3A_1317 = vector.shape_cast %get3A_1316 : vector<16xi32> to vector<16xi32>
      %mul3A_1318 = arith.constant 2048 : i32
      %mul3A_1319 = vector.broadcast %mul3A_1318 : i32 to vector<16xi32>
      %mul3A_1320 = arith.muli %get3A_1317, %mul3A_1319 : vector<16xi32>
      %add3A_1321 = arith.addi %mul3A_1320, %sub3A_1314 : vector<16xi32>
      %max3A_1322 = arith.maxsi %max3A_1234, %add3A_1321 : vector<16xi32>
      %sub3A_1323 = arith.constant 16 : i32
      %sub3A_1324 = vector.broadcast %sub3A_1323 : i32 to vector<16xi32>
      %sub3A_1325 = arith.subi %sub3A_1314, %sub3A_1324 : vector<16xi32>
      %get3A_1326 = arith.constant 1904 : index
      %get3A_1327 = tpu.vector_load %arg6[%get3A_1326] {strides = array<i32>} : memref<2048xi32, #tpu.memory_space<vmem>>, vector<16xi32>,
      %get3A_1328 = vector.shape_cast %get3A_1327 : vector<16xi32> to vector<16xi32>
      %mul3A_1329 = arith.constant 2048 : i32
      %mul3A_1330 = vector.broadcast %mul3A_1329 : i32 to vector<16xi32>
      %mul3A_1331 = arith.muli %get3A_1328, %mul3A_1330 : vector<16xi32>
      %add3A_1332 = arith.addi %mul3A_1331, %sub3A_1325 : vector<16xi32>
      %max3A_1333 = arith.maxsi %max3A_1245, %add3A_1332 : vector<16xi32>
      %sub3A_1334 = arith.constant 16 : i32
      %sub3A_1335 = vector.broadcast %sub3A_1334 : i32 to vector<16xi32>
      %sub3A_1336 = arith.subi %sub3A_1325, %sub3A_1335 : vector<16xi32>
      %get3A_1337 = arith.constant 1920 : index
      %get3A_1338 = tpu.vector_load %arg6[%get3A_1337] {strides = array<i32>} : memref<2048xi32, #tpu.memory_space<vmem>>, vector<16xi32>,
      %get3A_1339 = vector.shape_cast %get3A_1338 : vector<16xi32> to vector<16xi32>
      %mul3A_1340 = arith.constant 2048 : i32
      %mul3A_1341 = vector.broadcast %mul3A_1340 : i32 to vector<16xi32>
      %mul3A_1342 = arith.muli %get3A_1339, %mul3A_1341 : vector<16xi32>
      %add3A_1343 = arith.addi %mul3A_1342, %sub3A_1336 : vector<16xi32>
      %max3A_1344 = arith.maxsi %max3A_1256, %add3A_1343 : vector<16xi32>
      %sub3A_1345 = arith.constant 16 : i32
      %sub3A_1346 = vector.broadcast %sub3A_1345 : i32 to vector<16xi32>
      %sub3A_1347 = arith.subi %sub3A_1336, %sub3A_1346 : vector<16xi32>
      %get3A_1348 = arith.constant 1936 : index
      %get3A_1349 = tpu.vector_load %arg6[%get3A_1348] {strides = array<i32>} : memref<2048xi32, #tpu.memory_space<vmem>>, vector<16xi32>,
      %get3A_1350 = vector.shape_cast %get3A_1349 : vector<16xi32> to vector<16xi32>
      %mul3A_1351 = arith.constant 2048 : i32
      %mul3A_1352 = vector.broadcast %mul3A_1351 : i32 to vector<16xi32>
      %mul3A_1353 = arith.muli %get3A_1350, %mul3A_1352 : vector<16xi32>
      %add3A_1354 = arith.addi %mul3A_1353, %sub3A_1347 : vector<16xi32>
      %max3A_1355 = arith.maxsi %max3A_1267, %add3A_1354 : vector<16xi32>
      %sub3A_1356 = arith.constant 16 : i32
      %sub3A_1357 = vector.broadcast %sub3A_1356 : i32 to vector<16xi32>
      %sub3A_1358 = arith.subi %sub3A_1347, %sub3A_1357 : vector<16xi32>
      %get3A_1359 = arith.constant 1952 : index
      %get3A_1360 = tpu.vector_load %arg6[%get3A_1359] {strides = array<i32>} : memref<2048xi32, #tpu.memory_space<vmem>>, vector<16xi32>,
      %get3A_1361 = vector.shape_cast %get3A_1360 : vector<16xi32> to vector<16xi32>
      %mul3A_1362 = arith.constant 2048 : i32
      %mul3A_1363 = vector.broadcast %mul3A_1362 : i32 to vector<16xi32>
      %mul3A_1364 = arith.muli %get3A_1361, %mul3A_1363 : vector<16xi32>
      %add3A_1365 = arith.addi %mul3A_1364, %sub3A_1358 : vector<16xi32>
      %max3A_1366 = arith.maxsi %max3A_1278, %add3A_1365 : vector<16xi32>
      %sub3A_1367 = arith.constant 16 : i32
      %sub3A_1368 = vector.broadcast %sub3A_1367 : i32 to vector<16xi32>
      %sub3A_1369 = arith.subi %sub3A_1358, %sub3A_1368 : vector<16xi32>
      %get3A_1370 = arith.constant 1968 : index
      %get3A_1371 = tpu.vector_load %arg6[%get3A_1370] {strides = array<i32>} : memref<2048xi32, #tpu.memory_space<vmem>>, vector<16xi32>,
      %get3A_1372 = vector.shape_cast %get3A_1371 : vector<16xi32> to vector<16xi32>
      %mul3A_1373 = arith.constant 2048 : i32
      %mul3A_1374 = vector.broadcast %mul3A_1373 : i32 to vector<16xi32>
      %mul3A_1375 = arith.muli %get3A_1372, %mul3A_1374 : vector<16xi32>
      %add3A_1376 = arith.addi %mul3A_1375, %sub3A_1369 : vector<16xi32>
      %max3A_1377 = arith.maxsi %max3A_1289, %add3A_1376 : vector<16xi32>
      %sub3A_1378 = arith.constant 16 : i32
      %sub3A_1379 = vector.broadcast %sub3A_1378 : i32 to vector<16xi32>
      %sub3A_1380 = arith.subi %sub3A_1369, %sub3A_1379 : vector<16xi32>
      %get3A_1381 = arith.constant 1984 : index
      %get3A_1382 = tpu.vector_load %arg6[%get3A_1381] {strides = array<i32>} : memref<2048xi32, #tpu.memory_space<vmem>>, vector<16xi32>,
      %get3A_1383 = vector.shape_cast %get3A_1382 : vector<16xi32> to vector<16xi32>
      %mul3A_1384 = arith.constant 2048 : i32
      %mul3A_1385 = vector.broadcast %mul3A_1384 : i32 to vector<16xi32>
      %mul3A_1386 = arith.muli %get3A_1383, %mul3A_1385 : vector<16xi32>
      %add3A_1387 = arith.addi %mul3A_1386, %sub3A_1380 : vector<16xi32>
      %max3A_1388 = arith.maxsi %max3A_1300, %add3A_1387 : vector<16xi32>
      %sub3A_1389 = arith.constant 16 : i32
      %sub3A_1390 = vector.broadcast %sub3A_1389 : i32 to vector<16xi32>
      %sub3A_1391 = arith.subi %sub3A_1380, %sub3A_1390 : vector<16xi32>
      %get3A_1392 = arith.constant 2000 : index
      %get3A_1393 = tpu.vector_load %arg6[%get3A_1392] {strides = array<i32>} : memref<2048xi32, #tpu.memory_space<vmem>>, vector<16xi32>,
      %get3A_1394 = vector.shape_cast %get3A_1393 : vector<16xi32> to vector<16xi32>
      %mul3A_1395 = arith.constant 2048 : i32
      %mul3A_1396 = vector.broadcast %mul3A_1395 : i32 to vector<16xi32>
      %mul3A_1397 = arith.muli %get3A_1394, %mul3A_1396 : vector<16xi32>
      %add3A_1398 = arith.addi %mul3A_1397, %sub3A_1391 : vector<16xi32>
      %max3A_1399 = arith.maxsi %max3A_1311, %add3A_1398 : vector<16xi32>
      %sub3A_1400 = arith.constant 16 : i32
      %sub3A_1401 = vector.broadcast %sub3A_1400 : i32 to vector<16xi32>
      %sub3A_1402 = arith.subi %sub3A_1391, %sub3A_1401 : vector<16xi32>
      %get3A_1403 = arith.constant 2016 : index
      %get3A_1404 = tpu.vector_load %arg6[%get3A_1403] {strides = array<i32>} : memref<2048xi32, #tpu.memory_space<vmem>>, vector<16xi32>,
      %get3A_1405 = vector.shape_cast %get3A_1404 : vector<16xi32> to vector<16xi32>
      %mul3A_1406 = arith.constant 2048 : i32
      %mul3A_1407 = vector.broadcast %mul3A_1406 : i32 to vector<16xi32>
      %mul3A_1408 = arith.muli %get3A_1405, %mul3A_1407 : vector<16xi32>
      %add3A_1409 = arith.addi %mul3A_1408, %sub3A_1402 : vector<16xi32>
      %max3A_1410 = arith.maxsi %max3A_1322, %add3A_1409 : vector<16xi32>
      %sub3A_1411 = arith.constant 16 : i32
      %sub3A_1412 = vector.broadcast %sub3A_1411 : i32 to vector<16xi32>
      %sub3A_1413 = arith.subi %sub3A_1402, %sub3A_1412 : vector<16xi32>
      %get3A_1414 = arith.constant 2032 : index
      %get3A_1415 = tpu.vector_load %arg6[%get3A_1414] {strides = array<i32>} : memref<2048xi32, #tpu.memory_space<vmem>>, vector<16xi32>,
      %get3A_1416 = vector.shape_cast %get3A_1415 : vector<16xi32> to vector<16xi32>
      %mul3A_1417 = arith.constant 2048 : i32
      %mul3A_1418 = vector.broadcast %mul3A_1417 : i32 to vector<16xi32>
      %mul3A_1419 = arith.muli %get3A_1416, %mul3A_1418 : vector<16xi32>
      %add3A_1420 = arith.addi %mul3A_1419, %sub3A_1413 : vector<16xi32>
      %max3A_1421 = arith.maxsi %max3A_1333, %add3A_1420 : vector<16xi32>
      %sub3A_1422 = arith.constant 16 : i32
      %sub3A_1423 = vector.broadcast %sub3A_1422 : i32 to vector<16xi32>
      %sub3A_1424 = arith.subi %sub3A_1413, %sub3A_1423 : vector<16xi32>
      %max3A_1425 = arith.maxsi %max3A_1344, %max3A_1388 : vector<16xi32>
      %max3A_1426 = arith.maxsi %max3A_1355, %max3A_1399 : vector<16xi32>
      %max3A_1427 = arith.maxsi %max3A_1366, %max3A_1410 : vector<16xi32>
      %max3A_1428 = arith.maxsi %max3A_1377, %max3A_1421 : vector<16xi32>
      %max3A_1429 = arith.maxsi %max3A_1425, %max3A_1427 : vector<16xi32>
      %max3A_1430 = arith.maxsi %max3A_1426, %max3A_1428 : vector<16xi32>
      %max3A_1431 = arith.maxsi %max3A_1429, %max3A_1430 : vector<16xi32>
      %add3A_1432 = arith.constant 8 : i32
      %add3A_1433 = vector.broadcast %add3A_1432 : i32 to vector<16xi32>
      %add3A_1434 = arith.addi %iota3A, %add3A_1433 : vector<16xi32>
      %and3A = arith.constant 15 : i32
      %and3A_1435 = vector.broadcast %and3A : i32 to vector<16xi32>
      %and3A_1436 = arith.andi %add3A_1434, %and3A_1435 : vector<16xi32>
      %lt3A_1437 = arith.constant 0 : i32
      %lt3A_1438 = vector.broadcast %lt3A_1437 : i32 to vector<16xi32>
      %lt3A_1439 = arith.cmpi slt, %and3A_1436, %lt3A_1438 : vector<16xi32>
      %add3A_1440 = arith.constant 16 : i32
      %add3A_1441 = vector.broadcast %add3A_1440 : i32 to vector<16xi32>
      %add3A_1442 = arith.addi %and3A_1436, %add3A_1441 : vector<16xi32>
      %select_n3A = arith.select %lt3A_1439, %add3A_1442, %and3A_1436 : vector<16xi1>, vector<16xi32>
      %broadcast_in_dim3A_1443 = vector.shape_cast %select_n3A : vector<16xi32> to vector<16x1xi32>
      %gather3A = vector.shape_cast %broadcast_in_dim3A_1443 : vector<16x1xi32> to vector<16xi32>
      %gather3A_1444 = tpu.dynamic_gather %max3A_1431[%gather3A] in [0] : vector<16xi32>, vector<16xi32> -> vector<16xi32>
      %max3A_1445 = arith.maxsi %max3A_1431, %gather3A_1444 : vector<16xi32>
      %add3A_1446 = arith.constant 4 : i32
      %add3A_1447 = vector.broadcast %add3A_1446 : i32 to vector<16xi32>
      %add3A_1448 = arith.addi %iota3A, %add3A_1447 : vector<16xi32>
      %and3A_1449 = arith.constant 15 : i32
      %and3A_1450 = vector.broadcast %and3A_1449 : i32 to vector<16xi32>
      %and3A_1451 = arith.andi %add3A_1448, %and3A_1450 : vector<16xi32>
      %lt3A_1452 = arith.constant 0 : i32
      %lt3A_1453 = vector.broadcast %lt3A_1452 : i32 to vector<16xi32>
      %lt3A_1454 = arith.cmpi slt, %and3A_1451, %lt3A_1453 : vector<16xi32>
      %add3A_1455 = arith.constant 16 : i32
      %add3A_1456 = vector.broadcast %add3A_1455 : i32 to vector<16xi32>
      %add3A_1457 = arith.addi %and3A_1451, %add3A_1456 : vector<16xi32>
      %select_n3A_1458 = arith.select %lt3A_1454, %add3A_1457, %and3A_1451 : vector<16xi1>, vector<16xi32>
      %broadcast_in_dim3A_1459 = vector.shape_cast %select_n3A_1458 : vector<16xi32> to vector<16x1xi32>
      %gather3A_1460 = vector.shape_cast %broadcast_in_dim3A_1459 : vector<16x1xi32> to vector<16xi32>
      %gather3A_1461 = tpu.dynamic_gather %max3A_1445[%gather3A_1460] in [0] : vector<16xi32>, vector<16xi32> -> vector<16xi32>
      %max3A_1462 = arith.maxsi %max3A_1445, %gather3A_1461 : vector<16xi32>
      %add3A_1463 = arith.constant 2 : i32
      %add3A_1464 = vector.broadcast %add3A_1463 : i32 to vector<16xi32>
      %add3A_1465 = arith.addi %iota3A, %add3A_1464 : vector<16xi32>
      %and3A_1466 = arith.constant 15 : i32
      %and3A_1467 = vector.broadcast %and3A_1466 : i32 to vector<16xi32>
      %and3A_1468 = arith.andi %add3A_1465, %and3A_1467 : vector<16xi32>
      %lt3A_1469 = arith.constant 0 : i32
      %lt3A_1470 = vector.broadcast %lt3A_1469 : i32 to vector<16xi32>
      %lt3A_1471 = arith.cmpi slt, %and3A_1468, %lt3A_1470 : vector<16xi32>
      %add3A_1472 = arith.constant 16 : i32
      %add3A_1473 = vector.broadcast %add3A_1472 : i32 to vector<16xi32>
      %add3A_1474 = arith.addi %and3A_1468, %add3A_1473 : vector<16xi32>
      %select_n3A_1475 = arith.select %lt3A_1471, %add3A_1474, %and3A_1468 : vector<16xi1>, vector<16xi32>
      %broadcast_in_dim3A_1476 = vector.shape_cast %select_n3A_1475 : vector<16xi32> to vector<16x1xi32>
      %gather3A_1477 = vector.shape_cast %broadcast_in_dim3A_1476 : vector<16x1xi32> to vector<16xi32>
      %gather3A_1478 = tpu.dynamic_gather %max3A_1462[%gather3A_1477] in [0] : vector<16xi32>, vector<16xi32> -> vector<16xi32>
      %max3A_1479 = arith.maxsi %max3A_1462, %gather3A_1478 : vector<16xi32>
      %add3A_1480 = arith.constant 1 : i32
      %add3A_1481 = vector.broadcast %add3A_1480 : i32 to vector<16xi32>
      %add3A_1482 = arith.addi %iota3A, %add3A_1481 : vector<16xi32>
      %and3A_1483 = arith.constant 15 : i32
      %and3A_1484 = vector.broadcast %and3A_1483 : i32 to vector<16xi32>
      %and3A_1485 = arith.andi %add3A_1482, %and3A_1484 : vector<16xi32>
      %lt3A_1486 = arith.constant 0 : i32
      %lt3A_1487 = vector.broadcast %lt3A_1486 : i32 to vector<16xi32>
      %lt3A_1488 = arith.cmpi slt, %and3A_1485, %lt3A_1487 : vector<16xi32>
      %add3A_1489 = arith.constant 16 : i32
      %add3A_1490 = vector.broadcast %add3A_1489 : i32 to vector<16xi32>
      %add3A_1491 = arith.addi %and3A_1485, %add3A_1490 : vector<16xi32>
      %select_n3A_1492 = arith.select %lt3A_1488, %add3A_1491, %and3A_1485 : vector<16xi1>, vector<16xi32>
      %broadcast_in_dim3A_1493 = vector.shape_cast %select_n3A_1492 : vector<16xi32> to vector<16x1xi32>
      %gather3A_1494 = vector.shape_cast %broadcast_in_dim3A_1493 : vector<16x1xi32> to vector<16xi32>
      %gather3A_1495 = tpu.dynamic_gather %max3A_1479[%gather3A_1494] in [0] : vector<16xi32>, vector<16xi32> -> vector<16xi32>
      %max3A_1496 = arith.maxsi %max3A_1479, %gather3A_1495 : vector<16xi32>
      %slice3A = vector.extract_strided_slice %max3A_1496 {offsets = [0], sizes = [1], strides = [1]} : vector<16xi32> to vector<1xi32>
      %squeeze3A = vector.extract %slice3A[0] : i32 from vector<1xi32>
      %rem3A = arith.constant 2048 : i32
      %rem3A_1497 = arith.remsi %squeeze3A, %rem3A : i32
      %sub3A_1498 = arith.constant 2047 : i32
      %sub3A_1499 = arith.subi %sub3A_1498, %rem3A_1497 : i32
      %jit3A = arith.constant 16 : i32
      %div3A = arith.divsi %sub3A_1499, %jit3A : i32
      %sign3A = arith.constant 0 : i32
      %sign3A_1500 = arith.cmpi sgt, %sub3A_1499, %sign3A : i32
      %sign3A_1501 = arith.extui %sign3A_1500 : i1 to i32
      %sign3A_1502 = arith.constant 0 : i32
      %sign3A_1503 = arith.cmpi slt, %sub3A_1499, %sign3A_1502 : i32
      %sign3A_1504 = arith.extui %sign3A_1503 : i1 to i32
      %sign3A_1505 = arith.subi %sign3A_1501, %sign3A_1504 : i32
      %sign3A_1506 = arith.constant 0 : i32
      %sign3A_1507 = arith.cmpi sgt, %jit3A, %sign3A_1506 : i32
      %sign3A_1508 = arith.extui %sign3A_1507 : i1 to i32
      %sign3A_1509 = arith.constant 0 : i32
      %sign3A_1510 = arith.cmpi slt, %jit3A, %sign3A_1509 : i32
      %sign3A_1511 = arith.extui %sign3A_1510 : i1 to i32
      %sign3A_1512 = arith.subi %sign3A_1508, %sign3A_1511 : i32
      %ne3A = arith.cmpi ne, %sign3A_1505, %sign3A_1512 : i32
      %rem3A_1513 = arith.remsi %sub3A_1499, %jit3A : i32
      %ne3A_1514 = arith.constant 0 : i32
      %ne3A_1515 = arith.cmpi ne, %rem3A_1513, %ne3A_1514 : i32
      %and3A_1516 = arith.andi %ne3A, %ne3A_1515 : i1
      %sub3A_1517 = arith.constant 1 : i32
      %sub3A_1518 = arith.subi %div3A, %sub3A_1517 : i32
      %select_n3A_1519 = arith.select %and3A_1516, %sub3A_1518, %div3A : i32
      %mul3A_1520 = arith.constant 16 : i32
      %mul3A_1521 = arith.muli %select_n3A_1519, %mul3A_1520 : i32
      "tpu.region"() ({
        %run_scoped3A = tpu.sem_alloc : memref<!tpu.dma_semaphore, #tpu.memory_space<semaphore_mem>>
        %dma_start3A = tpu.memref_slice %arg3[%add3A, %sub3A_1499, %mul3A_1521] : memref<4x2048x4096xf32, #tpu.memory_space<hbm>> -> memref<1x1x16xf32, #tpu.memory_space<hbm>>
        %dma_start3A_1541 = tpu.memref_squeeze %dma_start3A : memref<1x1x16xf32, #tpu.memory_space<hbm>> -> memref<16xf32, #tpu.memory_space<hbm>>
        %dma_start3A_1542 = tpu.memref_slice %arg3[%add3A, %sub3A_1499, %mul3A_1521] : memref<4x2048x4096xf32, #tpu.memory_space<hbm>> -> memref<1x1x16xf32, #tpu.memory_space<hbm>>
        %dma_start3A_1543 = tpu.memref_squeeze %dma_start3A_1542 : memref<1x1x16xf32, #tpu.memory_space<hbm>> -> memref<16xf32, #tpu.memory_space<hbm>>
        tpu.enqueue_dma source(%dma_start3A_1543 : memref<16xf32, #tpu.memory_space<hbm>>) target(%arg7 : memref<16xf32, #tpu.memory_space<vmem>>) target_semaphore(%run_scoped3A : memref<!tpu.dma_semaphore, #tpu.memory_space<semaphore_mem>>)
        %dma_wait3A = tpu.memref_slice %arg3[%add3A, %sub3A_1499, %mul3A_1521] : memref<4x2048x4096xf32, #tpu.memory_space<hbm>> -> memref<1x1x16xf32, #tpu.memory_space<hbm>>
        %dma_wait3A_1544 = tpu.memref_squeeze %dma_wait3A : memref<1x1x16xf32, #tpu.memory_space<hbm>> -> memref<16xf32, #tpu.memory_space<hbm>>
        %dma_wait3A_1545 = tpu.memref_slice %arg3[%add3A, %sub3A_1499, %mul3A_1521] : memref<4x2048x4096xf32, #tpu.memory_space<hbm>> -> memref<1x1x16xf32, #tpu.memory_space<hbm>>
        %dma_wait3A_1546 = tpu.memref_squeeze %dma_wait3A_1545 : memref<1x1x16xf32, #tpu.memory_space<hbm>> -> memref<16xf32, #tpu.memory_space<hbm>>
        tpu.wait_dma2 semaphore(%run_scoped3A : memref<!tpu.dma_semaphore, #tpu.memory_space<semaphore_mem>>) src(%dma_wait3A_1546 : memref<16xf32, #tpu.memory_space<hbm>>) dst(%arg7 : memref<16xf32, #tpu.memory_space<vmem>>)
        tpu.yield
      }) : () -> ()
      %get3A_1522 = arith.constant 0 : index
      %get3A_1523 = tpu.vector_load %arg7[%get3A_1522] {strides = array<i32>} : memref<16xf32, #tpu.memory_space<vmem>>, vector<16xf32>,
      %get3A_1524 = vector.shape_cast %get3A_1523 : vector<16xf32> to vector<16xf32>
      %sub3A_1525 = arith.subi %sub3A_1499, %mul3A_1521 : i32
      %broadcast_in_dim3A_1526 = vector.broadcast %sub3A_1525 : i32 to vector<16xi32>
      %lt3A_1527 = arith.constant 0 : i32
      %lt3A_1528 = vector.broadcast %lt3A_1527 : i32 to vector<16xi32>
      %lt3A_1529 = arith.cmpi slt, %broadcast_in_dim3A_1526, %lt3A_1528 : vector<16xi32>
      %add3A_1530 = arith.constant 16 : i32
      %add3A_1531 = vector.broadcast %add3A_1530 : i32 to vector<16xi32>
      %add3A_1532 = arith.addi %broadcast_in_dim3A_1526, %add3A_1531 : vector<16xi32>
      %select_n3A_1533 = arith.select %lt3A_1529, %add3A_1532, %broadcast_in_dim3A_1526 : vector<16xi1>, vector<16xi32>
      %broadcast_in_dim3A_1534 = vector.shape_cast %select_n3A_1533 : vector<16xi32> to vector<16x1xi32>
      %gather3A_1535 = vector.shape_cast %broadcast_in_dim3A_1534 : vector<16x1xi32> to vector<16xi32>
      %gather3A_1536 = tpu.dynamic_gather %get3A_1524[%gather3A_1535] in [0] : vector<16xf32>, vector<16xi32> -> vector<16xf32>
      %mul3A_1537 = arith.mulf %gather3A_1536, %gather3A_1536 : vector<16xf32>
      %swap3A = arith.constant 0 : index
      %swap3A_1538 = tpu.vector_load %arg8[%swap3A] {strides = array<i32>} : memref<16xf32, #tpu.memory_space<vmem>>, vector<16xf32>,
      %swap3A_1539 = vector.shape_cast %swap3A_1538 : vector<16xf32> to vector<16xf32>
      %swap3A_1540 = vector.shape_cast %mul3A_1537 : vector<16xf32> to vector<16xf32>
      tpu.vector_store %arg8[%swap3A], %swap3A_1540 {strides = array<i32>} : memref<16xf32, #tpu.memory_space<vmem>>, vector<16xf32>,
      "tpu.region"() ({
        %run_scoped3A = tpu.sem_alloc : memref<!tpu.dma_semaphore, #tpu.memory_space<semaphore_mem>>
        %dma_start3A = arith.constant 0 : i32
        %dma_start3A_1541 = tpu.memref_slice %arg4[%add3A, %dma_start3A] : memref<4x16xf32, #tpu.memory_space<hbm>> -> memref<1x16xf32, #tpu.memory_space<hbm>>
        %dma_start3A_1542 = tpu.memref_squeeze %dma_start3A_1541 : memref<1x16xf32, #tpu.memory_space<hbm>> -> memref<16xf32, #tpu.memory_space<hbm>>
        %dma_start3A_1543 = arith.constant 0 : i32
        %dma_start3A_1544 = tpu.memref_slice %arg4[%add3A, %dma_start3A_1543] : memref<4x16xf32, #tpu.memory_space<hbm>> -> memref<1x16xf32, #tpu.memory_space<hbm>>
        %dma_start3A_1545 = tpu.memref_squeeze %dma_start3A_1544 : memref<1x16xf32, #tpu.memory_space<hbm>> -> memref<16xf32, #tpu.memory_space<hbm>>
        tpu.enqueue_dma source(%arg8 : memref<16xf32, #tpu.memory_space<vmem>>) target(%dma_start3A_1545 : memref<16xf32, #tpu.memory_space<hbm>>) target_semaphore(%run_scoped3A : memref<!tpu.dma_semaphore, #tpu.memory_space<semaphore_mem>>)
        %dma_wait3A = arith.constant 0 : i32
        %dma_wait3A_1546 = tpu.memref_slice %arg4[%add3A, %dma_wait3A] : memref<4x16xf32, #tpu.memory_space<hbm>> -> memref<1x16xf32, #tpu.memory_space<hbm>>
        %dma_wait3A_1547 = tpu.memref_squeeze %dma_wait3A_1546 : memref<1x16xf32, #tpu.memory_space<hbm>> -> memref<16xf32, #tpu.memory_space<hbm>>
        %dma_wait3A_1548 = arith.constant 0 : i32
        %dma_wait3A_1549 = tpu.memref_slice %arg4[%add3A, %dma_wait3A_1548] : memref<4x16xf32, #tpu.memory_space<hbm>> -> memref<1x16xf32, #tpu.memory_space<hbm>>
        %dma_wait3A_1550 = tpu.memref_squeeze %dma_wait3A_1549 : memref<1x16xf32, #tpu.memory_space<hbm>> -> memref<16xf32, #tpu.memory_space<hbm>>
        tpu.wait_dma2 semaphore(%run_scoped3A : memref<!tpu.dma_semaphore, #tpu.memory_space<semaphore_mem>>) src(%arg8 : memref<16xf32, #tpu.memory_space<vmem>>) dst(%dma_wait3A_1550 : memref<16xf32, #tpu.memory_space<hbm>>)
        tpu.yield
      }) : () -> ()
    } else {
    }
    return
  }
}

</mosaic_0001>

<sc_bundles>
// kernel: kernel.3.cloned.1.call-start
scs
__scs_entry_jumppad:
0x0: {  	(pc) =	sbr.rel $0x88, $3  }
0x1: {  	(tag) =	ssettag $0x0;
	lr =	simm.s32 $0x1  }
0x2: {  	[smem:$0x3F9F] =	sst lr;
	_ =	strace $0xD0000000  }
0x3: {  	_ = 	snop  }
0x4: {  	_ = 	snop  }
0x5: {  	_ = 	snop  }
0x6: {  	_ = 	snop  }
0x7: {  	_ = 	snop  }
__scs_overlays_trampoline_lowered:
0x8: {  	[smem:$0x3FAE] =	sst s0  }
0x9: {  	[smem:$0x3FAF] =	sst s1  }
0xa: {  	[smem:$0x3FB0] =	sst s2  }
0xb: {  	[smem:$0x3FB1] =	sst s3  }
0xc: {  	[smem:$0x3FB2] =	sst s4  }
0xd: {  	[smem:$0x3FB3] =	sst s5  }
0xe: {  	[smem:$0x3FB4] =	sst s6  }
0xf: {  	[smem:$0x3FB5] =	sst s7  }
0x10: {  	[smem:$0x3FB6] =	sst s8  }
0x11: {  	[smem:$0x3FB7] =	sst s9;
	s0 =	simm.s32 @!p0 $0x0  }
0x12: {  	s1 =	sld [smem:$0x3F9D];
	s0 =	simm.s32 @p0 $0x1  }
0x13: {  	[smem:$0x3FB8] =	sst s0;
	s0 =	simm.s32 @!p1 $0x0  }
0x14: {  	s2 =	sld [smem:$0x3F9C];
	s0 =	simm.s32 @p1 $0x1  }
0x15: {  	[smem:$0x3FB9] =	sst s0;
	s0 =	simm.s32 @!p2 $0x0  }
0x16: {  	s3 =	sld [smem:$0x3FDB];
	s0 =	simm.s32 @p2 $0x1  }
0x17: {  	s4 =	simm.s32 $0x1BF5;
	[smem:$0x3FBB] =	sst s0  }
0x18: {  	s0 =	sld [smem:$0x3F9E];
	_ =	swait.ge [sflag:s4], $0x0  }
0x19: {  	s7 =	sld [smem:$0x3F9F]  }
0x1a: {  	s8 =	sadd.s32 $0xFFFFE003, lr  }
0x1b: {  	s9 =	sadd.s32 $0xFFFFFEF7, lr;
	s5 =	simm.s32 $0xFFFFFFFF;
	p2 =	slt.u32 s8, $0xFFFFF086  }
0x1c: {  	p1 =	slt.u32 s9, $0xF7A;
	s5 =	simm.s32 @!p2 $0x0  }
0x1d: {  	s5 =	simm.s32 @p1 $0x1;
	p0 =	seq.s32 s7, s2  }
0x1e: {  	s7 =	smul.u32 @!p0 $0xF7A, s2;
	p2 =	seq.s32 @!p0 s5, $0x0  }
0x1f: {  	s9 =	smul.u32 $0xF7A, s1;
	s8 =	simm.s32 @!p0 $0x1BF5;
	p2 =	por !p2, p0  }
0x20: {  	[sflag:s8] =	ssyncset.s32 @!p0 $0xFFFFF086;
	s6 =	sadd.s32 @!p0 s3, s7;
	s7 =	simm.s32 @!p0 $0x108  }
0x21: {  	s3 =	sadd.s32 s3, s9;
	s6 =	sadd.s32 @!p0 $0x88, s6;
	s7 =	simm.s32 @p2 $0x1082  }
0x22: {  	[simem:s7], [sflag:s8] =	dma.local @!p0 [hbm:s6], $0xF7A  }
0x23: {  	s9 =	sor.u32 $0xD0000000, s2;
	s6 =	simm.s32 $0x108;
	_ =	swait.ge @!p0 [sflag:s8], $0x0  }
0x24: {  	s3 =	sadd.s32 $0x88, s3;
	s6 =	simm.s32 @!p1 $0x1082;
	[sflag:s4] =	ssyncset.s32 $0xFFFFF086  }
0x25: {  	[simem:s6], [sflag:s4] =	dma.local [hbm:s3], $0xF7A  }
0x26: {  	[smem:$0x3F9F] =	sst s1;
	(tag) =	ssettag s2;
	_ =	strace s9  }
0x27: {  	s1 =	sld [smem:$0x3FAF]  }
0x28: {  	s2 =	sld [smem:$0x3FB0]  }
0x29: {  	s4 =	sld [smem:$0x3FB2]  }
0x2a: {  	p0 =	seq.s32 s5, $0x0;
	s5 =	sld [smem:$0x3FB3]  }
0x2b: {  	s6 =	sld [smem:$0x3FB4]  }
0x2c: {  	s7 =	sld [smem:$0x3FB5]  }
0x2d: {  	s3 =	simm.s32 $0x108;
	s8 =	sld [smem:$0x3FB6]  }
0x2e: {  	s3 =	simm.s32 @!p0 $0x1082;
	s9 =	sld [smem:$0x3FB7]  }
0x2f: {  	lr =	sadd.s32 s0, s3;
	s0 =	sld [smem:$0x3FAE]  }
0x30: {  	s3 =	sld [smem:$0x3FB1]  }
0x31: {  	[smem:$0x3FBA] =	sst s10  }
0x32: {  	s10 =	sld [smem:$0x3FB8];
	_ =	sdelay $0x3  }
0x33: {  	p0 =	seq.s32 s10, $0x1;
	s10 =	sld [smem:$0x3FBA];
	_ =	sdelay $0x3  }
0x34: {  	[smem:$0x3FBA] =	sst s10  }
0x35: {  	s10 =	sld [smem:$0x3FB9];
	_ =	sdelay $0x3  }
0x36: {  	p1 =	seq.s32 s10, $0x1;
	s10 =	sld [smem:$0x3FBA];
	_ =	sdelay $0x3  }
0x37: {  	[smem:$0x3FBA] =	sst s10  }
0x38: {  	s10 =	sld [smem:$0x3FBB]  }
0x39: {  	_ = 	snop;
	(pc) =	sbr.ind lr, $3  }
0x3a: {  	_ = 	snop  }
0x3b: {  	_ = 	snop  }
0x3c: {  	p2 =	seq.s32 s10, $0x1;
	s10 =	sld [smem:$0x3FBA]  }
0x3d: {  	_ =	shalt  }
0x3e: {  	_ =	shalt  }
0x3f: {  	_ =	shalt  }
0x40: {  	_ =	shalt  }
0x41: {  	_ =	shalt  }
0x42: {  	_ =	shalt  }
0x43: {  	_ =	shalt  }
0x44: {  	_ =	shalt  }
0x45: {  	_ =	shalt  }
0x46: {  	_ =	shalt  }
0x47: {  	_ =	shalt  }
0x48: {  	_ =	shalt  }
0x49: {  	_ =	shalt  }
0x4a: {  	_ =	shalt  }
0x4b: {  	_ =	shalt  }
0x4c: {  	_ =	shalt  }
0x4d: {  	_ =	shalt  }
0x4e: {  	_ =	shalt  }
0x4f: {  	_ =	shalt  }
0x50: {  	_ =	shalt  }
0x51: {  	_ =	shalt  }
0x52: {  	_ =	shalt  }
0x53: {  	_ =	shalt  }
0x54: {  	_ =	shalt  }
0x55: {  	_ =	shalt  }
0x56: {  	_ =	shalt  }
0x57: {  	_ =	shalt  }
0x58: {  	_ =	shalt  }
0x59: {  	_ =	shalt  }
0x5a: {  	_ =	shalt  }
0x5b: {  	_ =	shalt  }
0x5c: {  	_ =	shalt  }
0x5d: {  	_ =	shalt  }
0x5e: {  	_ =	shalt  }
0x5f: {  	_ =	shalt  }
0x60: {  	_ =	shalt  }
0x61: {  	_ =	shalt  }
0x62: {  	_ =	shalt  }
0x63: {  	_ =	shalt  }
0x64: {  	_ =	shalt  }
0x65: {  	_ =	shalt  }
0x66: {  	_ =	shalt  }
0x67: {  	_ =	shalt  }
0x68: {  	_ =	shalt  }
0x69: {  	_ =	shalt  }
0x6a: {  	_ =	shalt  }
0x6b: {  	_ =	shalt  }
0x6c: {  	_ =	shalt  }
0x6d: {  	_ =	shalt  }
0x6e: {  	_ =	shalt  }
0x6f: {  	_ =	shalt  }
0x70: {  	_ =	shalt  }
0x71: {  	_ =	shalt  }
0x72: {  	_ =	shalt  }
0x73: {  	_ =	shalt  }
0x74: {  	_ =	shalt  }
0x75: {  	_ =	shalt  }
0x76: {  	_ =	shalt  }
0x77: {  	_ =	shalt  }
0x78: {  	_ =	shalt  }
0x79: {  	_ =	shalt  }
0x7a: {  	_ =	shalt  }
0x7b: {  	_ =	shalt  }
0x7c: {  	_ =	shalt  }
0x7d: {  	_ =	shalt  }
0x7e: {  	_ =	shalt  }
0x7f: {  	_ =	shalt  }
0x80: {  	_ =	shalt  }
0x81: {  	_ =	shalt  }
0x82: {  	_ =	shalt  }
0x83: {  	_ =	shalt  }
0x84: {  	_ =	shalt  }
0x85: {  	_ =	shalt  }
0x86: {  	_ =	shalt  }
0x87: {  	_ =	shalt  }
.Lfunc_end0:
.L_simem_size_0:
called_computation_lowered:
.L_overlay_start_0:
0x88: {  	s0 =	sld [smem:$0x3FD9]  }
0x89: {  	s1 =	sld [smem:$0x3FFE];
	_ =	sdelay $0x3  }
0x8a: {  	s0 =	sadd.s32 s1, s0  }
0x8b: {  	[smem:$0x3FC6] =	sst s0  }
0x8c: {  	_ = 	snop  }
0x8d: {  	s12 =	sld [smem:$0x3FC9]  }
0x8e: {  	s2 =	sld [smem:$0x3FC8];
	(tm) =	ssettm $0x1  }
0x8f: {  	s13 =	sld [smem:$0x3FFB];
	_ =	sdelay $0x3  }
0x90: {  	_ =	strace s13  }
0x91: {  	s0 =	sld [smem:$0x3FFC];
	_ =	sdelay $0x3  }
0x92: {  	_ =	strace s0  }
0x93: {  	s0 =	sld [smem:$0x3FFD];
	_ =	sdelay $0x3  }
0x94: {  	_ =	strace s0  }
0x95: {  	_ =	strace $0x8FFFFFFF  }
0x96: {  	s14 =	sld [smem:$0x3FDB];
	_ =	sdelay $0x1  }
0x97: {  	s3 =	simm.s32 $_scs_section_size  }
0x98: {  	s4 =	simm.s32 $_size__tile_overlayer_lowered;
	s5 =	simm.s32 $_tile_overlayer_lowered  }
0x99: {  	s6 =	simm.s32 $0x1BFF;
	s15 =	sshll.u32 s5, $0x1;
	s3 =	sadd.s32 s3, s14  }
0x9a: {  	s16 =	simm.s32 $0x0;
	s4 =	sshll.u32 s4, $0x1;
	s5 =	sadd.s32 s15, s3  }
0x9b: {  	[timem:s16], [sflag:s6] =	dma.local [hbm:s5], s4  }
0x9c: {  	_ =	swait.ge [sflag:s6], s4  }
0x9d: {  	s4 =	ssub.s32 $0x0, s4;
	[sflag:s6] =	ssyncset.done $0x0  }
0x9e: {  	[sflag:s6] =	ssyncadd.s32 s4;
	_ =	sdelay $0x1  }
0x9f: {  	s17 =	simm.s32 $0x1B8B  }
0xa0: {  	_ =	swait.ge [sflag:s17], $0x1  }
0xa1: {  	[sflag:s17] =	ssyncset.done $0x0  }
0xa2: {  	s19 =	simm.s32 $0x1B8E;
	s18 =	sld [smem:$0x3FFE];
	[sflag:s17] =	ssyncadd.s32 $0xFFFFFFFF  }
0xa3: {  	s20 =	simm.s32 $execute0_lowered;
	[smem:$0x3FD2] =	sst s19  }
0xa4: {  	s5 =	sshll.u32 s20, $0x1;
	_ =	strace $0x80000046;
	[dreg:$0x1] =	wrdreg $0xFFFFFFFF  }
0xa5: {  	s21 =	simm.s32 $_size_execute0_lowered;
	s3 =	sadd.s32 s3, s5;
	[dreg:$0x0] =	wrdreg $0x0  }
0xa6: {  	s5 =	sshll.u32 s21, $0x1;
	[dreg:$0x2] =	wrdreg s3  }
0xa7: {  	[dreg:$0x3] =	wrdreg s5  }
0xa8: {  	[dreg:$0x4] =	wrdreg $0xC0  }
0xa9: {  	_ =	task [dreg:s16], $0x5FFFF  }
0xaa: {  	[dreg:$0x1] =	wrdreg $0xFFFFFFFF  }
0xab: {  	[dreg:$0x0] =	wrdreg $0x60  }
0xac: {  	[dreg:$0x2] =	wrdreg s12  }
0xad: {  	[dreg:$0x3] =	wrdreg s18  }
0xae: {  	[dreg:$0x4] =	wrdreg $0x0  }
0xaf: {  	[dreg:$0x5] =	wrdreg $0x9  }
0xb0: {  	s22 =	simm.s32 $0xA;
	_ =	task.clear_ibuf [dreg:s16], $0x6FFFF  }
0xb1: {  	[spmem:s16], [sflag:s22] =	dma.local [hbm:s2], $0x400  }
0xb2: {  	_ =	swait.ge [sflag:s22], $0x400  }
0xb3: {  	[sflag:s22] =	ssyncset.done $0x0  }
0xb4: {  	[sflag:s22] =	ssyncadd.s32 $0xFFFFFC00  }
0xb5: {  	s1 =	sld [smem:$0x0];
	_ =	sdelay $0x1  }
0xb6: {  	s23 =	srdreg.scid  }
0xb7: {  	s24 =	sshrl.u32 s23, $0x2  }
0xb8: {  	s25 =	sand.u32 $0x2, s23;
	s1 =	sadd.s32 s24, s1  }
0xb9: {  	s4 =	sshll.u32 s25, $0xE;
	s1 =	sshll.u32 s1, $0x11  }
0xba: {  	s1 =	sor.u32 s1, s4  }
0xbb: {  	s4 =	sor.u32 $0x11C01, s1  }
0xbc: {  	s26 =	sor.u32 $0x11C41, s1;
	[sflag:s4] =	ssyncadd.remote.s32 $0x1  }
0xbd: {  	s28 =	sor.u32 $0x11C81, s1;
	[sflag:s26] =	ssyncadd.remote.s32 $0x1  }
0xbe: {  	s1 =	sor.u32 $0x11CC1, s1;
	[sflag:s28] =	ssyncadd.remote.s32 $0x1  }
0xbf: {  	[sflag:s1] =	ssyncadd.remote.s32 $0x1  }
0xc0: {  	_ =	strace $0x90000046  }
0xc1: {  	s29 =	simm.s32 $0x9;
	_ =	strace $0x80000048  }
0xc2: {  	_ =	swait.ge [sflag:s29], $0x1  }
0xc3: {  	[sflag:s29] =	ssyncadd.s32 $0xFFFFFFFF  }
0xc4: {  	_ =	strace $0x90000048  }
0xc5: {  	_ =	sfence  }
0xc6: {  	s30 =	sld [smem:$0x0];
	_ =	sdelay $0x2  }
0xc7: {  	s31 =	sshll.u32 s23, $0xD  }
0xc8: {  	s2 =	sand.u32 $0x1, s23;
	s4 =	sand.u32 $0x4000, s31;
	s1 =	sadd.s32 s24, s30  }
0xc9: {  	s2 =	sor.u32 s4, s2;
	s1 =	sshll.u32 s1, $0x11  }
0xca: {  	s1 =	sor.u32 s1, s2  }
0xcb: {  	s1 =	sadd.s32 $0x8F2B, s1  }
0xcc: {  	[sflag:s1] =	ssyncadd.remote.s32 $0x1  }
0xcd: {  	_ =	sfence.sel $0xFFFF  }
0xce: {  	[dreg:$0x0] =	wrdreg $0xFFFFFFFF;
	(pc) =	sbr.abs _section_cstart, $3  }
0xcf: {  	[dreg:$0x1] =	wrdreg $0xFFFFFFFF  }
0xd0: {  	_ =	task.clear_ibuf [dreg:s16], $0x2FFFF;
	_ =	strace $0x9FFFFFFF  }
0xd1: {  	(tm) =	ssettm $0x7FFFFFFF  }
tec
execute0_lowered:
.L_overlay_start_1:
0x0: {  	(tag) =	ssettag $0x1  }
0x1: {  	s1 =	stileid.u32  }
0x2: {  	p0 =	sgt.u32 s1, $0x3  }
.Ltmp0:
0x3: {  	s4 =	rddreg [dreg:$0x0];
	(pc) =	sbr.rel @p0 .LBB2_2-.Ltmp0, $4  }
0x4: {  	s2 =	rddreg [dreg:$0x1]  }
0x5: {  	s5 =	rddreg [dreg:$0x2];
	s3 =	simm.s32 $0x0  }
0x6: {  	[smem:$0x7FF] =	sst s3  }
0x7: {  	s0 =	rddreg [dreg:$0x3];
	_ =	strace $0x80000047  }
0x8: {  	s6 =	simm.s32 $0x1  }
0x9: {  	s7 =	sshll.u32 s1, $0x7;
	_ =	swait.ge [sflag:s6], $0x1  }
0xa: {  	s18 =	simm.s32 $0x80;
	s8 =	simm.s32 $0x200;
	[sflag:s6] =	ssyncset.done $0x0  }
0xb: {  	s19 =	simm.s32 $0x2;
	s5 =	sadd.s32 s7, s5;
	[sflag:s6] =	ssyncadd.s32 $0xFFFFFFFF  }
0xc: {  	[tilespmem:s8], [sflag:$0x2] =	stream.strided.gather [spmem:s5], $0x800, s8, s18, $0x38;
	[tilespmem:$0xB00] =	vst v63  }
0xd: {  	_ =	swait.ge [sflag:s19], $0x800  }
0xe: {  	[sflag:s19] =	ssyncset.done $0x0  }
0xf: {  	[sflag:s19] =	ssyncadd.s32 $0xFFFFF800  }
0x10: {  	v1 =	vld [tilespmem:$0x200]  }
0x11: {  	v2 =	vld [tilespmem:$0x210]  }
0x12: {  	v3 =	vld [tilespmem:$0x220]  }
0x13: {  	v4 =	vld [tilespmem:$0x230]  }
0x14: {  	v5 =	vld [tilespmem:$0x240]  }
0x15: {  	v6 =	vld [tilespmem:$0x250]  }
0x16: {  	v0 =	vlaneseq.u32;
	v8 =	vld [tilespmem:$0x260]  }
0x17: {  	v0 =	vmul.u32 $0xFFFFFFFF, v0;
	v11 =	vld [tilespmem:$0x270]  }
0x18: {  	v13 =	vld [tilespmem:$0x290]  }
0x19: {  	v7 =	vadd.s32 $0x7FF, v0;
	v15 =	vld [tilespmem:$0x2B0]  }
0x1a: {  	v9 =	vadd.s32 $0x7EF, v0;
	v10 =	vadd.s32 $0x7DF, v0;
	v29 =	vadd.s32 $0x7CF, v0;
	v37 =	vld [tilespmem:$0x2C0]  }
0x1b: {  	v30 =	vadd.s32 $0x7BF, v0;
	v12 =	vadd.s32 $0x7AF, v0;
	v32 =	vadd.s32 $0x79F, v0;
	v39 =	vld [tilespmem:$0x2D0]  }
0x1c: {  	v33 =	vadd.s32 $0x78F, v0;
	v14 =	vadd.s32 $0x77F, v0;
	v36 =	vadd.s32 $0x76F, v0;
	v43 =	vld [tilespmem:$0x2E0]  }
0x1d: {  	v38 =	vadd.s32 $0x75F, v0;
	v42 =	vadd.s32 $0x74F, v0;
	v46 =	vadd.s32 $0x73F, v0;
	v47 =	vld [tilespmem:$0x2F0]  }
0x1e: {  	v49 =	vadd.s32 $0x72F, v0;
	v53 =	vadd.s32 $0x71F, v0;
	v57 =	vadd.s32 $0x70F, v0;
	v50 =	vld [tilespmem:$0x300]  }
0x1f: {  	v60 =	vadd.s32 $0x6FF, v0;
	v18 =	vadd.s32 $0x6EF, v0;
	v22 =	vadd.s32 $0x6DF, v0;
	v54 =	vld [tilespmem:$0x310]  }
0x20: {  	v25 =	vadd.s32 $0x6CF, v0;
	v58 =	vld [tilespmem:$0x320];
	v1 =	vshll.u32 v1, $0xB;
	v2 =	vshll.u32 v2, $0xB  }
0x21: {  	v61 =	vld [tilespmem:$0x330];
	v3 =	vshll.u32 v3, $0xB;
	v4 =	vshll.u32 v4, $0xB;
	v5 =	vshll.u32 v5, $0xB  }
0x22: {  	v6 =	vshll.u32 v6, $0xB;
	v8 =	vshll.u32 v8, $0xB;
	v11 =	vshll.u32 v11, $0xB  }
0x23: {  	v35 =	vshll.u32 v13, $0xB;
	v41 =	vshll.u32 v15, $0xB;
	v45 =	vshll.u32 v37, $0xB  }
0x24: {  	v28 =	vld [tilespmem:$0x280];
	v48 =	vshll.u32 v39, $0xB;
	v52 =	vshll.u32 v43, $0xB;
	v56 =	vshll.u32 v47, $0xB  }
0x25: {  	v31 =	vld [tilespmem:$0x2A0];
	v59 =	vshll.u32 v50, $0xB;
	v63 =	vshll.u32 v54, $0xB;
	v21 =	vshll.u32 v58, $0xB  }
0x26: {  	v24 =	vshll.u32 v61, $0xB;
	v47 =	vadd.s32 $0x66F, v0;
	v58 =	vadd.s32 $0x63F, v0  }
0x27: {  	v19 =	vld [tilespmem:$0x340];
	v1 =	vor.u32 v7, v1;
	v2 =	vor.u32 v9, v2;
	v3 =	vor.u32 v10, v3  }
0x28: {  	v23 =	vld [tilespmem:$0x350];
	v4 =	vor.u32 v29, v4;
	v5 =	vor.u32 v30, v5;
	v6 =	vor.u32 v12, v6  }
0x29: {  	v26 =	vld [tilespmem:$0x360];
	v7 =	vshll.u32 v28, $0xB;
	v8 =	vor.u32 v32, v8;
	v34 =	vor.u32 v33, v11  }
0x2a: {  	v11 =	vor.u32 v36, v35;
	v9 =	vshll.u32 v31, $0xB;
	v44 =	vor.u32 v42, v41  }
0x2b: {  	v51 =	vor.u32 v49, v48;
	v55 =	vor.u32 v53, v52;
	v62 =	vor.u32 v60, v59  }
0x2c: {  	v20 =	vor.u32 v18, v63;
	v10 =	vor.u32 v22, v21;
	v27 =	vor.u32 v25, v24  }
0x2d: {  	v28 =	vshll.u32 v19, $0xB;
	v29 =	vadd.s32 $0x6BF, v0;
	v32 =	vshll.u32 v23, $0xB  }
0x2e: {  	v33 =	vadd.s32 $0x6AF, v0;
	v35 =	vshll.u32 v26, $0xB;
	v36 =	vadd.s32 $0x69F, v0  }
0x2f: {  	v18 =	vadd.s32 $0x61F, v0;
	v21 =	vadd.s32 $0x60F, v0;
	v25 =	vadd.s32 $0x5FF, v0  }
0x30: {  	v7 =	vor.u32 v14, v7;
	vm14 =	vgt.s32 v2, v11;
	v40 =	vor.u32 v38, v9  }
0x31: {  	vm15 =	vgt.s32 v4, v44;
	v9 =	vor.u32 v46, v45;
	vm5 =	vgt.s32 v6, v51  }
0x32: {  	vm6 =	vgt.s32 v8, v55;
	v31 =	vor.u32 v29, v28;
	v38 =	vor.u32 v36, v35  }
0x33: {  	v37 =	vld [tilespmem:$0x390];
	v29 =	vadd.s32 $0x5EF, v0;
	v36 =	vadd.s32 $0x5CF, v0;
	vm0 =	vgt.s32 v1, v7  }
0x34: {  	v30 =	vld [tilespmem:$0x370];
	vm1 =	vgt.s32 v3, v40;
	v2 =	vsel vm14, v2, v11;
	v4 =	vsel vm15, v4, v44  }
0x35: {  	v41 =	vld [tilespmem:$0x3A0];
	vm4 =	vgt.s32 v5, v9;
	v6 =	vsel vm5, v6, v51;
	v44 =	vadd.s32 $0x67F, v0  }
0x36: {  	v48 =	vld [tilespmem:$0x3C0];
	v51 =	vadd.s32 $0x65F, v0;
	v1 =	vsel vm0, v1, v7;
	v3 =	vsel vm1, v3, v40  }
0x37: {  	v52 =	vld [tilespmem:$0x3D0];
	v5 =	vsel vm4, v5, v9;
	v9 =	vor.u32 v57, v56;
	v7 =	vsel vm6, v8, v55  }
0x38: {  	v59 =	vld [tilespmem:$0x3F0];
	vm9 =	vgt.s32 v2, v20;
	vm11 =	vgt.s32 v4, v27;
	v40 =	vadd.s32 $0x68F, v0  }
0x39: {  	v63 =	vld [tilespmem:$0x400];
	v55 =	vadd.s32 $0x64F, v0;
	vm7 =	vgt.s32 v34, v9;
	vm8 =	vgt.s32 v1, v62  }
0x3a: {  	v19 =	vld [tilespmem:$0x410];
	v2 =	vsel vm9, v2, v20;
	vm10 =	vgt.s32 v3, v10;
	v4 =	vsel vm11, v4, v27  }
0x3b: {  	v22 =	vld [tilespmem:$0x420];
	vm12 =	vgt.s32 v5, v31;
	vm14 =	vgt.s32 v7, v38;
	v46 =	vshll.u32 v37, $0xB  }
0x3c: {  	v26 =	vld [tilespmem:$0x430];
	v9 =	vsel vm7, v34, v9;
	v1 =	vsel vm8, v1, v62;
	v3 =	vsel vm10, v3, v10  }
0x3d: {  	v10 =	vor.u32 v33, v32;
	v5 =	vsel vm12, v5, v31;
	v39 =	vshll.u32 v30, $0xB  }
0x3e: {  	v7 =	vsel vm14, v7, v38;
	v49 =	vor.u32 v47, v46;
	v50 =	vshll.u32 v41, $0xB  }
0x3f: {  	v45 =	vld [tilespmem:$0x3B0];
	v57 =	vshll.u32 v48, $0xB;
	v61 =	vshll.u32 v52, $0xB;
	v62 =	vadd.s32 $0x62F, v0  }
0x40: {  	v20 =	vshll.u32 v59, $0xB;
	v24 =	vshll.u32 v63, $0xB;
	v28 =	vshll.u32 v19, $0xB  }
0x41: {  	v56 =	vld [tilespmem:$0x3E0];
	v31 =	vshll.u32 v22, $0xB;
	v32 =	vadd.s32 $0x5DF, v0;
	v35 =	vshll.u32 v26, $0xB  }
0x42: {  	v37 =	vld [tilespmem:$0x460];
	v47 =	vadd.s32 $0x59F, v0;
	v22 =	vadd.s32 $0x53F, v0;
	v26 =	vadd.s32 $0x52F, v0  }
0x43: {  	v34 =	vld [tilespmem:$0x380];
	vm13 =	vgt.s32 v6, v10;
	v42 =	vor.u32 v40, v39;
	vm5 =	vgt.s32 v2, v49  }
0x44: {  	v30 =	vld [tilespmem:$0x440];
	v53 =	vor.u32 v51, v50;
	v54 =	vshll.u32 v45, $0xB;
	v60 =	vor.u32 v58, v57  }
0x45: {  	v33 =	vld [tilespmem:$0x450];
	v16 =	vor.u32 v62, v61;
	v23 =	vor.u32 v21, v20;
	v27 =	vor.u32 v25, v24  }
0x46: {  	v41 =	vld [tilespmem:$0x470];
	v38 =	vor.u32 v36, v35;
	v40 =	vadd.s32 $0x5BF, v0;
	v51 =	vadd.s32 $0x58F, v0  }
0x47: {  	v48 =	vld [tilespmem:$0x490];
	v58 =	vadd.s32 $0x56F, v0;
	v62 =	vadd.s32 $0x55F, v0;
	v6 =	vsel vm13, v6, v10  }
0x48: {  	v52 =	vld [tilespmem:$0x4A0];
	vm15 =	vgt.s32 v9, v42;
	v2 =	vsel vm5, v2, v49;
	vm6 =	vgt.s32 v3, v53  }
0x49: {  	v59 =	vld [tilespmem:$0x4C0];
	vm8 =	vgt.s32 v5, v60;
	v8 =	vsel vm15, v9, v42;
	v3 =	vsel vm6, v3, v53  }
0x4a: {  	v63 =	vld [tilespmem:$0x4D0];
	v5 =	vsel vm8, v5, v60;
	vm9 =	vgt.s32 v6, v16;
	v17 =	vshll.u32 v56, $0xB  }
0x4b: {  	v6 =	vsel vm9, v6, v16;
	vm11 =	vgt.s32 v8, v23;
	v46 =	vshll.u32 v37, $0xB  }
0x4c: {  	v37 =	vadd.s32 $0x4FF, v0;
	v43 =	vshll.u32 v34, $0xB;
	v8 =	vsel vm11, v8, v23  }
0x4d: {  	v34 =	vor.u32 v32, v31;
	v39 =	vshll.u32 v30, $0xB;
	v42 =	vshll.u32 v33, $0xB  }
0x4e: {  	v49 =	vor.u32 v47, v46;
	v50 =	vshll.u32 v41, $0xB;
	v57 =	vshll.u32 v48, $0xB  }
0x4f: {  	v61 =	vshll.u32 v52, $0xB;
	v21 =	vshll.u32 v59, $0xB;
	v25 =	vshll.u32 v63, $0xB  }
0x50: {  	v33 =	vadd.s32 $0x50F, v0;
	v48 =	vadd.s32 $0x4CF, v0;
	v59 =	vadd.s32 $0x49F, v0  }
0x51: {  	v10 =	vor.u32 v44, v43;
	vm14 =	vgt.s32 v3, v34;
	v43 =	vadd.s32 $0x5AF, v0  }
0x52: {  	v23 =	vld [tilespmem:$0x4F0];
	v60 =	vor.u32 v58, v57;
	v24 =	vor.u32 v22, v21;
	vm4 =	vgt.s32 v1, v10  }
0x53: {  	v44 =	vld [tilespmem:$0x480];
	v3 =	vsel vm14, v3, v34;
	v45 =	vor.u32 v43, v42;
	v1 =	vsel vm4, v1, v10  }
0x54: {  	v10 =	vor.u32 v55, v54;
	vm5 =	vgt.s32 v6, v45;
	v54 =	vadd.s32 $0x57F, v0  }
0x55: {  	v19 =	vld [tilespmem:$0x4E0];
	vm7 =	vgt.s32 v4, v10;
	vm12 =	vgt.s32 v1, v27;
	v6 =	vsel vm5, v6, v45  }
0x56: {  	v34 =	vld [tilespmem:$0x520];
	v4 =	vsel vm7, v4, v10;
	v10 =	vor.u32 v18, v17;
	v1 =	vsel vm12, v1, v27  }
0x57: {  	v55 =	vld [tilespmem:$0x4B0];
	v18 =	vadd.s32 $0x54F, v0;
	v32 =	vshll.u32 v23, $0xB;
	vm10 =	vgt.s32 v7, v10  }
0x58: {  	vm15 =	vgt.s32 v4, v38;
	v53 =	vshll.u32 v44, $0xB;
	v35 =	vor.u32 v33, v32  }
0x59: {  	v30 =	vld [tilespmem:$0x510];
	v44 =	vadd.s32 $0x4DF, v0;
	v7 =	vsel vm10, v7, v10;
	v10 =	vor.u32 v29, v28  }
0x5a: {  	v21 =	vld [tilespmem:$0x5B0];
	v4 =	vsel vm15, v4, v38;
	v56 =	vor.u32 v54, v53;
	v28 =	vshll.u32 v19, $0xB  }
0x5b: {  	v45 =	vld [tilespmem:$0x550];
	v29 =	vadd.s32 $0x51F, v0;
	v43 =	vshll.u32 v34, $0xB;
	vm13 =	vgt.s32 v2, v10  }
0x5c: {  	vm6 =	vgt.s32 v7, v49;
	vm8 =	vgt.s32 v1, v56;
	v17 =	vshll.u32 v55, $0xB  }
0x5d: {  	v27 =	vld [tilespmem:$0x500];
	v31 =	vor.u32 v29, v28;
	v46 =	vor.u32 v44, v43;
	v55 =	vadd.s32 $0x4AF, v0  }
0x5e: {  	v2 =	vsel vm13, v2, v10;
	v10 =	vor.u32 v40, v39;
	v7 =	vsel vm6, v7, v49  }
0x5f: {  	v1 =	vsel vm8, v1, v56;
	v20 =	vor.u32 v18, v17;
	v39 =	vshll.u32 v30, $0xB  }
0x60: {  	v41 =	vld [tilespmem:$0x540];
	v40 =	vadd.s32 $0x4EF, v0;
	v54 =	vshll.u32 v45, $0xB;
	v30 =	vshll.u32 v21, $0xB  }
0x61: {  	v32 =	vld [tilespmem:$0x5E0];
	vm4 =	vgt.s32 v5, v10;
	vm9 =	vgt.s32 v2, v60;
	vm11 =	vgt.s32 v4, v20  }
0x62: {  	vm14 =	vgt.s32 v7, v31;
	v36 =	vshll.u32 v27, $0xB;
	v42 =	vor.u32 v40, v39  }
0x63: {  	v38 =	vld [tilespmem:$0x530];
	v57 =	vor.u32 v55, v54;
	v27 =	vadd.s32 $0x45F, v0;
	v5 =	vsel vm4, v5, v10  }
0x64: {  	v10 =	vor.u32 v51, v50;
	v2 =	vsel vm9, v2, v60;
	v4 =	vsel vm11, v4, v20  }
0x65: {  	v52 =	vld [tilespmem:$0x570];
	v7 =	vsel vm14, v7, v31;
	v50 =	vshll.u32 v41, $0xB;
	v51 =	vadd.s32 $0x4BF, v0  }
0x66: {  	v20 =	vadd.s32 $0x47F, v0;
	v31 =	vadd.s32 $0x44F, v0;
	v41 =	vshll.u32 v32, $0xB  }
0x67: {  	v43 =	vld [tilespmem:$0x610];
	vm7 =	vgt.s32 v8, v10;
	vm12 =	vgt.s32 v5, v24;
	vm5 =	vgt.s32 v2, v42  }
0x68: {  	v49 =	vld [tilespmem:$0x560];
	v47 =	vshll.u32 v38, $0xB;
	v53 =	vor.u32 v51, v50;
	v33 =	vor.u32 v31, v30  }
0x69: {  	v56 =	vld [tilespmem:$0x580];
	v38 =	vadd.s32 $0x42F, v0;
	v8 =	vsel vm7, v8, v10;
	v10 =	vor.u32 v62, v61  }
0x6a: {  	v5 =	vsel vm12, v5, v24;
	v2 =	vsel vm5, v2, v42;
	v61 =	vshll.u32 v52, $0xB  }
0x6b: {  	v63 =	vld [tilespmem:$0x5A0];
	v62 =	vadd.s32 $0x48F, v0;
	v24 =	vadd.s32 $0x46F, v0;
	v42 =	vadd.s32 $0x41F, v0  }
0x6c: {  	v54 =	vld [tilespmem:$0x640];
	v52 =	vshll.u32 v43, $0xB;
	vm10 =	vgt.s32 v3, v10;
	vm15 =	vgt.s32 v8, v35  }
0x6d: {  	vm8 =	vgt.s32 v5, v53;
	v58 =	vshll.u32 v49, $0xB;
	v18 =	vor.u32 v62, v61  }
0x6e: {  	v60 =	vld [tilespmem:$0x590];
	v19 =	vshll.u32 v56, $0xB;
	v44 =	vor.u32 v42, v41;
	v49 =	vadd.s32 $0x3FF, v0  }
0x6f: {  	v3 =	vsel vm10, v3, v10;
	v10 =	vor.u32 v26, v25;
	v8 =	vsel vm15, v8, v35  }
0x70: {  	v28 =	vld [tilespmem:$0x5D0];
	v5 =	vsel vm8, v5, v53;
	v22 =	vor.u32 v20, v19;
	v26 =	vshll.u32 v63, $0xB  }
0x71: {  	v35 =	vadd.s32 $0x43F, v0;
	v53 =	vadd.s32 $0x3EF, v0;
	v63 =	vshll.u32 v54, $0xB  }
0x72: {  	vm13 =	vgt.s32 v6, v10;
	vm6 =	vgt.s32 v3, v46;
	vm11 =	vgt.s32 v8, v18  }
0x73: {  	v23 =	vshll.u32 v60, $0xB;
	v29 =	vor.u32 v27, v26;
	v55 =	vor.u32 v53, v52  }
0x74: {  	v60 =	vadd.s32 $0x3CF, v0;
	v6 =	vsel vm13, v6, v10;
	v10 =	vor.u32 v37, v36  }
0x75: {  	v39 =	vld [tilespmem:$0x600];
	v3 =	vsel vm6, v3, v46;
	v8 =	vsel vm11, v8, v18;
	v37 =	vshll.u32 v28, $0xB  }
0x76: {  	v30 =	vld [tilespmem:$0x6A0];
	v46 =	vadd.s32 $0x40F, v0;
	v18 =	vadd.s32 $0x3BF, v0;
	vm4 =	vgt.s32 v1, v10  }
0x77: {  	v25 =	vld [tilespmem:$0x5C0];
	vm9 =	vgt.s32 v6, v57;
	vm14 =	vgt.s32 v3, v29;
	v40 =	vor.u32 v38, v37  }
0x78: {  	v19 =	vld [tilespmem:$0x670];
	v20 =	vor.u32 v18, v63;
	v18 =	vadd.s32 $0x2EF, v0;
	v1 =	vsel vm4, v1, v10  }
0x79: {  	v10 =	vor.u32 v48, v47;
	v6 =	vsel vm9, v6, v57;
	v3 =	vsel vm14, v3, v29  }
0x7a: {  	v50 =	vld [tilespmem:$0x630];
	v48 =	vshll.u32 v39, $0xB;
	v57 =	vadd.s32 $0x3DF, v0;
	v29 =	vadd.s32 $0x38F, v0  }
0x7b: {  	v41 =	vld [tilespmem:$0x6D0];
	v39 =	vshll.u32 v30, $0xB;
	vm7 =	vgt.s32 v4, v10;
	vm12 =	vgt.s32 v1, v22  }
0x7c: {  	v36 =	vld [tilespmem:$0x5F0];
	v34 =	vshll.u32 v25, $0xB;
	vm5 =	vgt.s32 v6, v40;
	v51 =	vor.u32 v49, v48  }
0x7d: {  	v25 =	vadd.s32 $0x39F, v0;
	v28 =	vshll.u32 v19, $0xB;
	v4 =	vsel vm7, v4, v10  }
0x7e: {  	v10 =	vor.u32 v59, v58;
	v1 =	vsel vm12, v1, v22;
	v6 =	vsel vm5, v6, v40  }
0x7f: {  	v59 =	vshll.u32 v50, $0xB;
	v22 =	vadd.s32 $0x3AF, v0;
	v31 =	vor.u32 v29, v28  }
0x80: {  	v61 =	vld [tilespmem:$0x660];
	v40 =	vadd.s32 $0x35F, v0;
	v50 =	vshll.u32 v41, $0xB;
	v29 =	vadd.s32 $0x2BF, v0  }
0x81: {  	v52 =	vld [tilespmem:$0x700];
	vm10 =	vgt.s32 v7, v10;
	vm15 =	vgt.s32 v4, v33;
	v45 =	vshll.u32 v36, $0xB  }
0x82: {  	v47 =	vld [tilespmem:$0x620];
	vm8 =	vgt.s32 v1, v51;
	v62 =	vor.u32 v60, v59;
	v36 =	vadd.s32 $0x36F, v0  }
0x83: {  	v63 =	vld [tilespmem:$0x730];
	v42 =	vor.u32 v40, v39;
	v40 =	vadd.s32 $0x28F, v0;
	v7 =	vsel vm10, v7, v10  }
0x84: {  	v30 =	vld [tilespmem:$0x770];
	v10 =	vor.u32 v24, v23;
	v4 =	vsel vm15, v4, v33;
	v1 =	vsel vm8, v1, v51  }
0x85: {  	v24 =	vshll.u32 v61, $0xB;
	v33 =	vadd.s32 $0x37F, v0;
	v51 =	vadd.s32 $0x32F, v0  }
0x86: {  	v26 =	vld [tilespmem:$0x690];
	v61 =	vshll.u32 v52, $0xB;
	vm13 =	vgt.s32 v2, v10;
	vm6 =	vgt.s32 v7, v44  }
0x87: {  	v19 =	vld [tilespmem:$0x740];
	v56 =	vshll.u32 v47, $0xB;
	vm11 =	vgt.s32 v4, v62;
	v27 =	vor.u32 v25, v24  }
0x88: {  	v58 =	vld [tilespmem:$0x650];
	v47 =	vadd.s32 $0x33F, v0;
	v53 =	vor.u32 v51, v50;
	v24 =	vshll.u32 v63, $0xB  }
0x89: {  	v25 =	vadd.s32 $0x2CF, v0;
	v39 =	vshll.u32 v30, $0xB;
	v51 =	vadd.s32 $0x25F, v0  }
0x8a: {  	v41 =	vld [tilespmem:$0x7A0];
	v2 =	vsel vm13, v2, v10;
	v10 =	vor.u32 v35, v34;
	v7 =	vsel vm6, v7, v44  }
0x8b: {  	v4 =	vsel vm11, v4, v62;
	v35 =	vshll.u32 v26, $0xB;
	v44 =	vadd.s32 $0x34F, v0  }
0x8c: {  	v37 =	vld [tilespmem:$0x6C0];
	v62 =	vadd.s32 $0x2FF, v0;
	v28 =	vshll.u32 v19, $0xB;
	vm4 =	vgt.s32 v5, v10  }
0x8d: {  	vm9 =	vgt.s32 v2, v55;
	v21 =	vshll.u32 v58, $0xB;
	vm14 =	vgt.s32 v7, v27  }
0x8e: {  	v23 =	vld [tilespmem:$0x680];
	v38 =	vor.u32 v36, v35;
	v58 =	vadd.s32 $0x30F, v0;
	v16 =	vor.u32 v62, v61  }
0x8f: {  	v52 =	vld [tilespmem:$0x7D0];
	v36 =	vadd.s32 $0x29F, v0;
	v50 =	vshll.u32 v41, $0xB;
	v62 =	vadd.s32 $0x22F, v0  }
0x90: {  	v48 =	vld [tilespmem:$0x6F0];
	v5 =	vsel vm4, v5, v10;
	v10 =	vor.u32 v46, v45;
	v2 =	vsel vm9, v2, v55  }
0x91: {  	v59 =	vld [tilespmem:$0x720];
	v7 =	vsel vm14, v7, v27;
	v46 =	vshll.u32 v37, $0xB;
	v55 =	vadd.s32 $0x31F, v0  }
0x92: {  	v63 =	vld [tilespmem:$0x800];
	v27 =	vor.u32 v25, v24;
	v25 =	vadd.s32 $0x1FF, v0;
	vm7 =	vgt.s32 v8, v10  }
0x93: {  	v34 =	vld [tilespmem:$0x6B0];
	vm12 =	vgt.s32 v5, v20;
	v32 =	vshll.u32 v23, $0xB;
	vm5 =	vgt.s32 v2, v38  }
0x94: {  	v26 =	vld [tilespmem:$0x760];
	v49 =	vor.u32 v47, v46;
	v47 =	vadd.s32 $0x26F, v0;
	v61 =	vshll.u32 v52, $0xB  }
0x95: {  	v8 =	vsel vm7, v8, v10;
	v10 =	vor.u32 v57, v56;
	v5 =	vsel vm12, v5, v20  }
0x96: {  	v2 =	vsel vm5, v2, v38;
	v57 =	vshll.u32 v48, $0xB;
	v20 =	vshll.u32 v59, $0xB  }
0x97: {  	v45 =	vld [tilespmem:$0x6E0];
	v24 =	vshll.u32 v63, $0xB;
	vm10 =	vgt.s32 v3, v10;
	vm15 =	vgt.s32 v8, v31  }
0x98: {  	v37 =	vld [tilespmem:$0x790];
	v43 =	vshll.u32 v34, $0xB;
	vm8 =	vgt.s32 v5, v49;
	v60 =	vor.u32 v58, v57  }
0x99: {  	v35 =	vshll.u32 v26, $0xB;
	v58 =	vadd.s32 $0x23F, v0;
	v3 =	vsel vm10, v3, v10  }
0x9a: {  	v10 =	vor.u32 v22, v21;
	v8 =	vsel vm15, v8, v31;
	v5 =	vsel vm8, v5, v49  }
0x9b: {  	v56 =	vld [tilespmem:$0x710];
	v21 =	vadd.s32 $0x2DF, v0;
	v38 =	vor.u32 v36, v35;
	v36 =	vadd.s32 $0x1CF, v0  }
0x9c: {  	v48 =	vld [tilespmem:$0x7C0];
	vm13 =	vgt.s32 v6, v10;
	vm6 =	vgt.s32 v3, v42;
	v54 =	vshll.u32 v45, $0xB  }
0x9d: {  	v59 =	vld [tilespmem:$0x7F0];
	vm11 =	vgt.s32 v8, v60;
	v23 =	vor.u32 v21, v20;
	v46 =	vshll.u32 v37, $0xB  }
0x9e: {  	v21 =	vadd.s32 $0x20F, v0;
	v6 =	vsel vm13, v6, v10;
	v10 =	vor.u32 v33, v32  }
0x9f: {  	v3 =	vsel vm6, v3, v42;
	v8 =	vsel vm11, v8, v60;
	v32 =	vadd.s32 $0x2AF, v0  }
0xa0: {  	v26 =	vld [tilespmem:$0x830];
	v49 =	vor.u32 v47, v46;
	v47 =	vadd.s32 $0x19F, v0;
	vm4 =	vgt.s32 v1, v10  }
0xa1: {  	v22 =	vld [tilespmem:$0x750];
	vm9 =	vgt.s32 v6, v53;
	v17 =	vshll.u32 v56, $0xB;
	vm14 =	vgt.s32 v3, v23  }
0xa2: {  	v57 =	vshll.u32 v48, $0xB;
	v20 =	vshll.u32 v59, $0xB;
	v1 =	vsel vm4, v1, v10  }
0xa3: {  	v10 =	vor.u32 v44, v43;
	v6 =	vsel vm9, v6, v53;
	v3 =	vsel vm14, v3, v23  }
0xa4: {  	v37 =	vld [tilespmem:$0x860];
	v43 =	vadd.s32 $0x27F, v0;
	v60 =	vor.u32 v58, v57;
	v23 =	vor.u32 v21, v20  }
0xa5: {  	v33 =	vld [tilespmem:$0x780];
	v35 =	vshll.u32 v26, $0xB;
	v58 =	vadd.s32 $0x16F, v0;
	v26 =	vadd.s32 $0x12F, v0  }
0xa6: {  	vm7 =	vgt.s32 v4, v10;
	vm12 =	vgt.s32 v1, v16;
	v31 =	vshll.u32 v22, $0xB  }
0xa7: {  	v4 =	vsel vm7, v4, v10;
	v10 =	vor.u32 v55, v54;
	v1 =	vsel vm12, v1, v16  }
0xa8: {  	v48 =	vld [tilespmem:$0x890];
	v34 =	vor.u32 v32, v31;
	v54 =	vadd.s32 $0x24F, v0;
	v32 =	vadd.s32 $0x1DF, v0  }
0xa9: {  	v46 =	vshll.u32 v37, $0xB;
	v37 =	vadd.s32 $0xFF, v0;
	vm10 =	vgt.s32 v7, v10  }
0xaa: {  	v44 =	vld [tilespmem:$0x7B0];
	vm15 =	vgt.s32 v4, v27;
	vm5 =	vgt.s32 v6, v34;
	v42 =	vshll.u32 v33, $0xB  }
0xab: {  	v7 =	vsel vm10, v7, v10;
	v10 =	vor.u32 v18, v17;
	v4 =	vsel vm15, v4, v27  }
0xac: {  	v22 =	vld [tilespmem:$0x820];
	v6 =	vsel vm5, v6, v34;
	v45 =	vor.u32 v43, v42;
	v17 =	vadd.s32 $0x21F, v0  }
0xad: {  	v59 =	vld [tilespmem:$0x8C0];
	v43 =	vadd.s32 $0x1AF, v0;
	v57 =	vshll.u32 v48, $0xB;
	v48 =	vadd.s32 $0xCF, v0  }
0xae: {  	v55 =	vld [tilespmem:$0x7E0];
	vm13 =	vgt.s32 v2, v10;
	vm6 =	vgt.s32 v7, v38;
	vm8 =	vgt.s32 v1, v45  }
0xaf: {  	v53 =	vshll.u32 v44, $0xB;
	v2 =	vsel vm13, v2, v10;
	v10 =	vor.u32 v29, v28  }
0xb0: {  	v7 =	vsel vm6, v7, v38;
	v1 =	vsel vm8, v1, v45;
	v56 =	vor.u32 v54, v53  }
0xb1: {  	v33 =	vld [tilespmem:$0x850];
	v28 =	vadd.s32 $0x1EF, v0;
	v31 =	vshll.u32 v22, $0xB;
	v54 =	vadd.s32 $0x17F, v0  }
0xb2: {  	v18 =	vld [tilespmem:$0x810];
	v22 =	vshll.u32 v59, $0xB;
	v59 =	vadd.s32 $0x9F, v0;
	vm4 =	vgt.s32 v5, v10  }
0xb3: {  	vm9 =	vgt.s32 v2, v49;
	vm11 =	vgt.s32 v4, v56;
	v16 =	vshll.u32 v55, $0xB  }
0xb4: {  	v34 =	vor.u32 v32, v31;
	v5 =	vsel vm4, v5, v10;
	v10 =	vor.u32 v40, v39  }
0xb5: {  	v44 =	vld [tilespmem:$0x880];
	v2 =	vsel vm9, v2, v49;
	v4 =	vsel vm11, v4, v56;
	v19 =	vor.u32 v17, v16  }
0xb6: {  	v20 =	vld [tilespmem:$0x8E0];
	v39 =	vadd.s32 $0x1BF, v0;
	v42 =	vshll.u32 v33, $0xB;
	vm7 =	vgt.s32 v8, v10  }
0xb7: {  	v29 =	vld [tilespmem:$0x840];
	vm12 =	vgt.s32 v5, v60;
	vm14 =	vgt.s32 v7, v19;
	v27 =	vshll.u32 v18, $0xB  }
0xb8: {  	v45 =	vor.u32 v43, v42;
	v8 =	vsel vm7, v8, v10;
	v10 =	vor.u32 v51, v50  }
0xb9: {  	v5 =	vsel vm12, v5, v60;
	v7 =	vsel vm14, v7, v19;
	v30 =	vor.u32 v28, v27  }
0xba: {  	v55 =	vld [tilespmem:$0x8B0];
	v50 =	vadd.s32 $0x18F, v0;
	v53 =	vshll.u32 v44, $0xB;
	v19 =	vadd.s32 $0x14F, v0  }
0xbb: {  	vm10 =	vgt.s32 v3, v10;
	vm15 =	vgt.s32 v8, v23;
	vm5 =	vgt.s32 v2, v30  }
0xbc: {  	v40 =	vld [tilespmem:$0x870];
	v38 =	vshll.u32 v29, $0xB;
	v56 =	vor.u32 v54, v53;
	v29 =	vshll.u32 v20, $0xB  }
0xbd: {  	v31 =	vld [tilespmem:$0x910];
	v3 =	vsel vm10, v3, v10;
	v10 =	vor.u32 v62, v61;
	v8 =	vsel vm15, v8, v23  }
0xbe: {  	v2 =	vsel vm5, v2, v30;
	v41 =	vor.u32 v39, v38;
	v61 =	vadd.s32 $0x15F, v0  }
0xbf: {  	v18 =	vshll.u32 v55, $0xB;
	v23 =	vadd.s32 $0x13F, v0;
	v30 =	vadd.s32 $0x11F, v0  }
0xc0: {  	v51 =	vld [tilespmem:$0x8A0];
	vm13 =	vgt.s32 v6, v10;
	vm6 =	vgt.s32 v3, v34;
	vm8 =	vgt.s32 v5, v41  }
0xc1: {  	v42 =	vld [tilespmem:$0x940];
	v49 =	vshll.u32 v40, $0xB;
	v21 =	vor.u32 v19, v18;
	v32 =	vor.u32 v30, v29  }
0xc2: {  	v40 =	vshll.u32 v31, $0xB;
	v6 =	vsel vm13, v6, v10;
	v10 =	vor.u32 v25, v24  }
0xc3: {  	v27 =	vld [tilespmem:$0x900];
	v3 =	vsel vm6, v3, v34;
	v5 =	vsel vm8, v5, v41;
	v52 =	vor.u32 v50, v49  }
0xc4: {  	v34 =	vadd.s32 $0x10F, v0;
	v41 =	vadd.s32 $0xEF, v0;
	vm4 =	vgt.s32 v1, v10  }
0xc5: {  	v62 =	vld [tilespmem:$0x8D0];
	vm9 =	vgt.s32 v6, v45;
	vm11 =	vgt.s32 v8, v52;
	v60 =	vshll.u32 v51, $0xB  }
0xc6: {  	v53 =	vld [tilespmem:$0x970];
	v43 =	vor.u32 v41, v40;
	v51 =	vshll.u32 v42, $0xB;
	v40 =	vadd.s32 $0x1F, v0  }
0xc7: {  	v1 =	vsel vm4, v1, v10;
	v10 =	vor.u32 v36, v35;
	v6 =	vsel vm9, v6, v45  }
0xc8: {  	v38 =	vld [tilespmem:$0x930];
	v8 =	vsel vm11, v8, v52;
	v63 =	vor.u32 v61, v60;
	v36 =	vshll.u32 v27, $0xB  }
0xc9: {  	v18 =	vld [tilespmem:$0x9A0];
	v45 =	vadd.s32 $0xDF, v0;
	v52 =	vadd.s32 $0xBF, v0;
	vm7 =	vgt.s32 v4, v10  }
0xca: {  	v29 =	vld [tilespmem:$0x9D0];
	vm12 =	vgt.s32 v1, v56;
	vm14 =	vgt.s32 v3, v63;
	v25 =	vshll.u32 v62, $0xB  }
0xcb: {  	v24 =	vld [tilespmem:$0x8F0];
	v39 =	vor.u32 v37, v36;
	v54 =	vor.u32 v52, v51;
	v62 =	vshll.u32 v53, $0xB  }
0xcc: {  	v4 =	vsel vm7, v4, v10;
	v10 =	vor.u32 v47, v46;
	v1 =	vsel vm12, v1, v56  }
0xcd: {  	v3 =	vsel vm14, v3, v63;
	v28 =	vor.u32 v26, v25;
	v47 =	vshll.u32 v38, $0xB  }
0xce: {  	v56 =	vadd.s32 $0xAF, v0;
	v63 =	vadd.s32 $0x8F, v0;
	v27 =	vshll.u32 v18, $0xB  }
0xcf: {  	v49 =	vld [tilespmem:$0x960];
	v38 =	vshll.u32 v29, $0xB;
	vm10 =	vgt.s32 v7, v10;
	vm15 =	vgt.s32 v4, v21  }
0xd0: {  	vm5 =	vgt.s32 v6, v28;
	v33 =	vshll.u32 v24, $0xB;
	vm8 =	vgt.s32 v1, v39  }
0xd1: {  	v35 =	vld [tilespmem:$0x920];
	v50 =	vor.u32 v48, v47;
	v19 =	vor.u32 v63, v62;
	v24 =	vadd.s32 $0x6F, v0  }
0xd2: {  	v48 =	vimm.s32 $0x3210FEDC;
	v7 =	vsel vm10, v7, v10;
	v10 =	vor.u32 v58, v57  }
0xd3: {  	v4 =	vsel vm15, v4, v21;
	v6 =	vsel vm5, v6, v28;
	v1 =	vsel vm8, v1, v39  }
0xd4: {  	v60 =	vld [tilespmem:$0x990];
	v58 =	vshll.u32 v49, $0xB;
	v21 =	vadd.s32 $0x7F, v0;
	v28 =	vadd.s32 $0x5F, v0  }
0xd5: {  	v36 =	vld [tilespmem:$0x9F0];
	v39 =	vadd.s32 $0x2F, v0;
	v49 =	vimm.s32 $0xBA987654;
	vm13 =	vgt.s32 v2, v10  }
0xd6: {  	v46 =	vld [tilespmem:$0x950];
	vm6 =	vgt.s32 v7, v32;
	v44 =	vshll.u32 v35, $0xB;
	vm11 =	vgt.s32 v4, v50  }
0xd7: {  	v61 =	vor.u32 v59, v58;
	v30 =	vor.u32 v28, v27;
	v35 =	vadd.s32 $0x3F, v0  }
0xd8: {  	v41 =	vor.u32 v39, v38;
	v51 =	vunpack.c.l.s4.s8 v49;
	v2 =	vsel vm13, v2, v10  }
0xd9: {  	v25 =	vld [tilespmem:$0x9C0];
	v10 =	vor.u32 v23, v22;
	v7 =	vsel vm6, v7, v32;
	v4 =	vsel vm11, v4, v50  }
0xda: {  	v57 =	vld [tilespmem:$0x980];
	v23 =	vshll.u32 v60, $0xB;
	v42 =	vshll.u32 v36, $0xB;
	vm4 =	vgt.s32 v5, v10  }
0xdb: {  	vm9 =	vgt.s32 v2, v43;
	v55 =	vshll.u32 v46, $0xB;
	vm14 =	vgt.s32 v7, v61  }
0xdc: {  	v26 =	vor.u32 v24, v23;
	v5 =	vsel vm4, v5, v10;
	v10 =	vor.u32 v34, v33  }
0xdd: {  	v2 =	vsel vm9, v2, v43;
	v7 =	vsel vm14, v7, v61;
	v33 =	vadd.s32 $0x4F, v0  }
0xde: {  	v22 =	vld [tilespmem:$0x9B0];
	v34 =	vshll.u32 v25, $0xB;
	v0 =	vadd.s32 $0xF, v0;
	v43 =	vimm.s32 $0xFEDCBA98  }
0xdf: {  	vm7 =	vgt.s32 v8, v10;
	vm12 =	vgt.s32 v5, v54;
	v20 =	vshll.u32 v57, $0xB  }
0xe0: {  	vm5 =	vgt.s32 v2, v26;
	v37 =	vor.u32 v35, v34;
	v0 =	vor.u32 v0, v42  }
0xe1: {  	v8 =	vsel vm7, v8, v10;
	v10 =	vor.u32 v45, v44;
	v5 =	vsel vm12, v5, v54  }
0xe2: {  	v2 =	vsel vm5, v2, v26;
	v44 =	vimm.s32 $0x76543210;
	vm10 =	vgt.s32 v3, v10  }
0xe3: {  	vm15 =	vgt.s32 v8, v19;
	v32 =	vshll.u32 v22, $0xB;
	vm8 =	vgt.s32 v5, v37  }
0xe4: {  	v31 =	vld [tilespmem:$0x9E0];
	v45 =	vunpack.c.l.s4.s8 v44;
	v3 =	vsel vm10, v3, v10;
	v10 =	vor.u32 v56, v55  }
0xe5: {  	v8 =	vsel vm15, v8, v19;
	v11 =	vor.u32 v33, v32;
	v5 =	vsel vm8, v5, v37  }
0xe6: {  	vm13 =	vgt.s32 v6, v10;
	vm6 =	vgt.s32 v3, v30;
	vm7 =	vgt.s32 v4, v11  }
0xe7: {  	vm11 =	vgt.s32 v8, v0;
	v6 =	vsel vm13, v6, v10;
	v10 =	vor.u32 v21, v20  }
0xe8: {  	v3 =	vsel vm6, v3, v30;
	v4 =	vsel vm7, v4, v11;
	vm4 =	vgt.s32 v1, v10  }
0xe9: {  	v0 =	vsel vm11, v8, v0;
	v1 =	vsel vm4, v1, v10;
	v10 =	vshll.u32 v31, $0xB  }
0xea: {  	vm9 =	vgt.s32 v6, v41;
	vm15 =	vgt.s32 v4, v0;
	v10 =	vor.u32 v40, v10  }
0xeb: {  	v6 =	vsel vm9, v6, v41;
	vm12 =	vgt.s32 v1, v5;
	vm10 =	vgt.s32 v7, v10  }
0xec: {  	v1 =	vsel vm12, v1, v5;
	v5 =	vunpack.c.l.s4.s8 v43;
	v7 =	vsel vm10, v7, v10  }
0xed: {  	v0 =	vsel vm15, v4, v0;
	vm13 =	vgt.s32 v2, v6;
	vm14 =	vgt.s32 v3, v7  }
0xee: {  	v2 =	vsel vm13, v2, v6;
	v5 =	vunpack.c.0.s8.s32 v5;
	v3 =	vsel vm14, v3, v7  }
0xef: {  	v46 =	vunpack.c.0.s8.s32 v45;
	vm1 =	vgt.s32 v2, v0;
	vm0 =	vgt.s32 v1, v3  }
0xf0: {  	v0 =	vsel vm1, v2, v0;
	v47 =	vand.u32 $0xF, v5;
	v1 =	vsel vm0, v1, v3  }
0xf1: {  	v50 =	vunpack.c.l.s4.s8 v48;
	v2 =	vcombine.low v47, v46;
	vm0 =	vgt.s32 v1, v0  }
0xf2: {  	v52 =	vimm.s32 $0x10FEDCBA;
	v0 =	vsel vm0, v1, v0  }
0xf3: {  	v3 =	vunpack.c.0.s8.s32 v51;
	v1 =	vunpack.c.0.s8.s32 v50;
	v2 =	vperm.xlane v0, v2  }
0xf4: {  	v53 =	vimm.s32 $0x98765432;
	v54 =	vunpack.c.l.s4.s8 v52  }
0xf5: {  	v55 =	vunpack.c.l.s4.s8 v53;
	v1 =	vcombine.low v3, v1;
	vm0 =	vgt.s32 v0, v2  }
0xf6: {  	v57 =	vimm.s32 $0x87654321;
	v0 =	vsel vm0, v0, v2  }
0xf7: {  	v3 =	vunpack.c.0.s8.s32 v55;
	v2 =	vunpack.c.0.s8.s32 v54;
	v1 =	vperm.xlane v0, v1  }
0xf8: {  	v59 =	vunpack.c.l.s4.s8 v57;
	v56 =	vimm.s32 $0xFEDCBA9  }
0xf9: {  	v58 =	vunpack.c.l.s4.s8 v56;
	v2 =	vcombine.low v3, v2;
	vm0 =	vgt.s32 v0, v1  }
0xfa: {  	v0 =	vsel vm0, v0, v1  }
0xfb: {  	v61 =	vunpack.c.0.s8.s32 v59;
	v60 =	vunpack.c.0.s8.s32 v58;
	v1 =	vperm.xlane v0, v2;
	_ =	sdelay $0x1  }
0xfc: {  	v2 =	vcombine.low v61, v60;
	vm0 =	vgt.s32 v0, v1  }
0xfd: {  	v0 =	vsel vm0, v0, v1  }
0xfe: {  	v1 =	vperm.xlane v0, v2;
	_ =	sdelay $0x1  }
0xff: {  	vm0 =	vgt.s32 v0, v1  }
0x100: {  	v0 =	vsel vm0, v0, v1  }
0x101: {  	(v2sf) =	vpush v0, $0x0;
	_ =	sdelay $0xe  }
0x102: {  	s20 =	spop (v2sf)  }
0x103: {  	s21 =	sshra.s32 s20, $0x1F  }
0x104: {  	s8 =	sshrl.u32 s21, $0x15  }
0x105: {  	s8 =	sadd.s32 s8, s20  }
0x106: {  	s8 =	sand.u32 $0xFFFFF800, s8  }
0x107: {  	s7 =	ssub.s32 s20, s8  }
0x108: {  	s8 =	ssub.s32 $0x7FF, s7  }
0x109: {  	s9 =	sand.u32 $0xF, s8  }
0x10a: {  	p0 =	sgt.s32 s7, $0x7FE;
	p1 =	sne.s32 s9, $0x0  }
0x10b: {  	p0 =	por !p0, !p1  }
0x10c: {  	s22 =	sshll.u32 s1, $0x17;
	p0 =	por !p0, !p0  }
0x10d: {  	s23 =	sshll.u32 s8, $0xC;
	s10 =	sshrl.u32 s8, $0x4;
	s6 =	simm.s32 @!p0 $0x0  }
0x10e: {  	s24 =	sshll.u32 s8, $0x7;
	s9 =	sand.u32 $0x7FFF8000, s23;
	s6 =	ssub.s32 s10, s6  }
0x10f: {  	s7 =	sadd.s32 s22, s9;
	s10 =	sand.u32 $0x380, s24;
	s25 =	sshll.u32 s6, $0x7  }
0x110: {  	s6 =	sshll.u32 s6, $0x4;
	s7 =	sor.u32 s10, s7;
	s9 =	sand.u32 $0xFFFFFC00, s25  }
0x111: {  	s26 =	sand.u32 $0x70, s6;
	s7 =	sadd.s32 s9, s7  }
0x112: {  	s7 =	sor.u32 s26, s7  }
0x113: {  	s7 =	sshrl.u32 s7, $0x3  }
0x114: {  	s28 =	simm.s32 $0xA00;
	s4 =	sadd.s32 s4, s7  }
0x115: {  	[tilespmem:s28], [sflag:$0x2] =	stream.linear.gather [hbm4b:s4+s3], $0x10, $0x38;
	[tilespmem:$0xB00] =	vst v63  }
0x116: {  	_ =	swait.ge [sflag:s19], $0x10  }
0x117: {  	[sflag:s19] =	ssyncset.done $0x0  }
0x118: {  	[sflag:s19] =	ssyncadd.s32 $0xFFFFFFF0  }
0x119: {  	v62 =	vld [tilespmem:$0xA00];
	_ =	sdelay $0x2  }
0x11a: {  	s29 =	ssub.s32 s8, s6  }
0x11b: {  	v63 =	vmov s29  }
0x11c: {  	v0 =	vperm.xlane v62, v63;
	_ =	sdelay $0x1  }
0x11d: {  	v0 =	vmul.f32 v0, v0  }
0x11e: {  	s30 =	sshll.u32 s1, $0x4  }
0x11f: {  	s31 =	simm.s32 $0xA80;
	s2 =	sadd.s32 s2, s30;
	[tilespmem:$0xA80] =	vst v0  }
0x120: {  	[hbm4b:s2+s3] =	stream.linear.scatter [tilespmem:s31], [sflag:$0x2], $0x80, $0x38;
	[tilespmem:$0xB00] =	vst v63  }
0x121: {  	_ =	swait.ge [sflag:s19], $0x80  }
0x122: {  	[sflag:s19] =	ssyncset.done $0x0  }
0x123: {  	[sflag:s19] =	ssyncadd.s32 $0xFFFFFF80  }
.LBB2_2:
0x124: {  	_ =	sfence.sel $0x180000  }
0x125: {  	[bflag:$0x0] =	sbarrier.arrive $0xFFFF  }
0x126: {  	p0 =	sne.s32 s1, $0x0;
	_ =	strace $0x90000047  }
0x127: {  	s0 =	sadd.s32 @!p0 $0x100000, s0;
	[bflag:$0x2] =	sbarrier.arrive $0xFFFF  }
0x128: {  	[sflag:s0] =	ssyncadd.tile.s32 @!p0 $0x1;
	_ =	shalt  }
.Lfunc_end2:
_tile_overlayer_lowered:
.L_overlay_start_2:
0x129: {  	(tag) =	ssettag $0x2  }
0x12a: {  	s0 =	rddreg [dreg:$0x0];
	s2 =	stileid.u32  }
0x12b: {  	s1 =	rddreg [dreg:$0x1];
	p0 =	sne.s32 s2, $0x0  }
0x12c: {  	s3 =	rddreg [dreg:$0x2];
	[bflag:$0x3] =	sbarrier.arrive $0xFFFF;
	s2 =	simm.s32 @!p0 $0x1C02  }
0x12d: {  	[timem:s3], [sflag:s2] =	dma.local @!p0 [hbm:s0], s1  }
0x12e: {  	s0 =	simm.s32 @!p0 $0x2  }
0x12f: {  	_ =	swait.ge @!p0 [sflag:s0], s1  }
0x130: {  	s1 =	ssub.s32 @!p0 $0x0, s1;
	[sflag:s0] =	ssyncset.done @!p0 $0x0  }
0x131: {  	[sflag:s0] =	ssyncadd.s32 @!p0 s1  }
0x132: {  	[bflag:$0x3] =	sbarrier.arrive $0xFFFF  }
0x133: {  	_ =	shalt  }

</sc_bundles>
